<compile_context>
chip_gen: v7x
topology: tpu7x:2x2x1
jax: 0.10.2.dev20260603
libtpu: 0.0.44.dev20260713+nightly
codegen_flags: <defaults>
</compile_context>

<pallas_src>
import functools

import jax
import jax.numpy as jnp
from jax import lax
from jax.experimental import pallas as pl
from jax.experimental.pallas import tpu as pltpu
from jax.experimental.pallas import tpu_sc as plsc

_NUM_TILES = 16
_ZROWS = 640
_CH = 128
_RING = 2
_GDEPTH = 1
_IDXB = 8


def _make_seg_sum(n, h, n_chunks):
    nacc = _NUM_TILES * _ZROWS
    assert nacc >= n + 1
    mesh = plsc.VectorSubcoreMesh(core_axis_name="c", subcore_axis_name="s",
                                  num_cores=2, num_subcores=_NUM_TILES)
    assert n_chunks % 2 == 0
    last = (_NUM_TILES - 1) * _ZROWS

    @functools.partial(
        pl.kernel,
        out_type=[jax.ShapeDtypeStruct((n, h), jnp.float32)] * 4,
        mesh=mesh,
        scratch_types=[
            pltpu.VMEM((4, _CH), jnp.int32),
            pltpu.VMEM((_RING, _CH, h), jnp.float32),
            pltpu.VMEM_SHARED((nacc, h), jnp.float32),
            [pltpu.SemaphoreType.DMA] * _RING,
        ],
    )
    def seg_sum(l_hbm, w_hbm, e_hbm, t_hbm, idx_hbm, z_hbm,
                aggl_hbm, aggw_hbm, agge_hbm, aggt_hbm,
                idx_v, rows_v, acc_sh, sem_g):
        c = lax.axis_index("c")
        s = lax.axis_index("s")

        def process(feat_hbm, out_hbm):
            pltpu.sync_copy(z_hbm, acc_sh.at[pl.ds(s * _ZROWS, _ZROWS)])
            plsc.subcore_barrier()

            def group(g, carry):
                pltpu.sync_copy(idx_hbm.at[s, g], idx_v)
                cp0 = pltpu.async_copy(feat_hbm.at[idx_v.at[0]],
                                       rows_v.at[0], sem_g[0])
                cp1 = pltpu.async_copy(feat_hbm.at[idx_v.at[1]],
                                       rows_v.at[1], sem_g[1])
                cp0.wait()
                pltpu.sync_copy(rows_v.at[0], acc_sh.at[idx_v.at[2]], add=True)
                cp1.wait()
                pltpu.sync_copy(rows_v.at[1], acc_sh.at[idx_v.at[3]], add=True)
                return carry

            lax.fori_loop(0, n_chunks // 2, group, 0, unroll=False)
            plsc.subcore_barrier()

            @pl.when(s < _NUM_TILES - 1)
            def _():
                sl = pl.ds(s * _ZROWS, _ZROWS)
                pltpu.sync_copy(acc_sh.at[sl], out_hbm.at[sl])

            @pl.when(s == _NUM_TILES - 1)
            def _():
                sl = pl.ds(last, n - last)
                pltpu.sync_copy(acc_sh.at[sl], out_hbm.at[sl])

            plsc.subcore_barrier()

        @pl.when(c == 0)
        def _():
            process(l_hbm, aggl_hbm)
            process(w_hbm, aggw_hbm)

        @pl.when(c == 1)
        def _():
            process(e_hbm, agge_hbm)
            process(t_hbm, aggt_hbm)

    return seg_sum


def _mlp_body(aggl_ref, aggw_ref, agge_ref, aggt_ref, w1_ref, b1_ref,
              wh_ref, bh_ref, g_ref, bt_ref, out_ref):
    h = aggl_ref.shape[1]
    x = jnp.dot(aggl_ref[...], w1_ref[0:h, :], preferred_element_type=jnp.float32)
    x = x + jnp.dot(aggw_ref[...], w1_ref[h:2 * h, :], preferred_element_type=jnp.float32)
    x = x + jnp.dot(agge_ref[...], w1_ref[2 * h:3 * h, :], preferred_element_type=jnp.float32)
    x = x + jnp.dot(aggt_ref[...], w1_ref[3 * h:4 * h, :], preferred_element_type=jnp.float32)
    x = jnp.maximum(x + b1_ref[...], 0.0)
    n = x.shape[0]
    mu = jnp.sum(x, axis=0, keepdims=True) / n
    xc = x - mu
    var = jnp.sum(xc * xc, axis=0, keepdims=True) / n
    y = xc * (g_ref[...] * lax.rsqrt(var + 1e-5)) + bt_ref[...]
    out_ref[...] = jnp.dot(y, wh_ref[...], preferred_element_type=jnp.float32) + bh_ref[...]


def kernel(l, w, e, t, edge_index, W1, b1, Wh, bh, gamma, beta):
    n, h = l.shape
    num_edges = edge_index.shape[1]

    grp_edges = 2 * _CH
    n_groups = -(-num_edges // (_NUM_TILES * grp_edges))
    e_pad = n_groups * grp_edges * _NUM_TILES
    pad = e_pad - num_edges
    src = jnp.concatenate([edge_index[0], jnp.zeros((pad,), jnp.int32)])
    dst = jnp.concatenate([edge_index[1], jnp.full((pad,), n, jnp.int32)])
    src4 = src.reshape(_NUM_TILES, n_groups, 2, _CH)
    dst4 = dst.reshape(_NUM_TILES, n_groups, 2, _CH)
    idx4 = jnp.concatenate([src4, dst4], axis=2)
    zeros = jnp.zeros((_ZROWS, h), jnp.float32)

    seg_sum = _make_seg_sum(n, h, 2 * n_groups)
    aggl, aggw, agge, aggt = seg_sum(l, w, e, t, idx4, zeros)

    l_new = pl.pallas_call(
        _mlp_body,
        out_shape=jax.ShapeDtypeStruct((n, h), jnp.float32),
    )(aggl, aggw, agge, aggt, W1, b1.reshape(1, h), Wh, bh.reshape(1, h),
      gamma.reshape(1, h), beta.reshape(1, h))

    return (l_new, aggw[:, None, :], agge[:, None, :], aggt[:, None, :])

# --- scband reference (transcript-rebuilt; emitter-appended) ---
"""Pipeline reference for scband-mgn-53154515255829 (READ-ONLY COPY).

The authoritative reference and input builder live on the scoring server;
editing this copy changes nothing except your own understanding.
"""

import jax, jax.numpy as jnp
import numpy as np

N = 10000
E = 320000
H = 128

def setup_inputs(seed: int = 0) -> dict:
    key = jax.random.key(seed)
    ks = jax.random.split(key, 10)
    l = jax.random.normal(ks[0], (N, H), dtype=jnp.float32)
    w = jax.random.normal(ks[1], (N, H), dtype=jnp.float32)
    e = jax.random.normal(ks[2], (N, H), dtype=jnp.float32)
    t = jax.random.normal(ks[3], (N, H), dtype=jnp.float32)
    edge_index = jax.random.randint(ks[4], (2, E), 0, N, dtype=jnp.int32)
    # learned params (merge_linner: Linear(4H -> H), merge_hidden: Linear(H -> H), BatchNorm1d(H))
    W1 = jax.random.normal(ks[5], (4 * H, H), dtype=jnp.float32) * 0.02
    b1 = jnp.zeros((H,), dtype=jnp.float32)
    Wh = jax.random.normal(ks[6], (H, H), dtype=jnp.float32) * 0.02
    bh = jnp.zeros((H,), dtype=jnp.float32)
    gamma = jnp.ones((H,), dtype=jnp.float32)
    beta = jnp.zeros((H,), dtype=jnp.float32)
    return {"l": l, "w": w, "e": e, "t": t, "edge_index": edge_index,
            "W1": W1, "b1": b1, "Wh": Wh, "bh": bh, "gamma": gamma, "beta": beta}

def reference(l, w, e, t, edge_index, W1, b1, Wh, bh, gamma, beta):
    src = edge_index[0]
    dst = edge_index[1]
    n = l.shape[0]
    # message: gather src features; reduce: sum into dst nodes
    agg_l = jax.ops.segment_sum(l[src], dst, num_segments=n)
    agg_w = jax.ops.segment_sum(w[src], dst, num_segments=n)
    agg_e = jax.ops.segment_sum(e[src], dst, num_segments=n)
    agg_t = jax.ops.segment_sum(t[src], dst, num_segments=n)
    # cat([l,w,e,t] as (N,1,H) each, dim=1) then reshape (N, 4H) == concat along feature axis
    h = jnp.concatenate([agg_l, agg_w, agg_e, agg_t], axis=1)
    x = h @ W1 + b1
    x = jax.nn.relu(x)
    # BatchNorm1d in training mode: batch statistics, biased variance, eps=1e-5
    mu = jnp.mean(x, axis=0)
    var = jnp.var(x, axis=0)
    x = (x - mu) / jnp.sqrt(var + 1e-5) * gamma + beta
    l_new = x @ Wh + bh
    # reduce_func returns l:(N,H), w/e/t:(N,1,H)
    return (l_new, agg_w[:, None, :], agg_e[:, None, :], agg_t[:, None, :])

if __name__ == "__main__":
    import jax
    _d = setup_inputs()
    print(jax.jit(kernel)(*tuple(_d.values())))

</pallas_src>

<mosaic_0001>
#map = affine_map<(d0, d1) -> (0, 0)>
#map1 = affine_map<(d0, d1) -> (0, 0, 0, 0)>
module attributes {stable_mosaic.version = 14 : i64} {
  func.func @seg_sum(%arg0: i32, %arg1: i32, %arg2: memref<10000x128xf32, #tpu.memory_space<hbm>>, %arg3: memref<10000x128xf32, #tpu.memory_space<hbm>>, %arg4: memref<10000x128xf32, #tpu.memory_space<hbm>>, %arg5: memref<10000x128xf32, #tpu.memory_space<hbm>>, %arg6: memref<16x79x4x128xi32, #tpu.memory_space<hbm>>, %arg7: memref<640x128xf32, #tpu.memory_space<hbm>>, %arg8: memref<10000x128xf32, #tpu.memory_space<hbm>>, %arg9: memref<10000x128xf32, #tpu.memory_space<hbm>>, %arg10: memref<10000x128xf32, #tpu.memory_space<hbm>>, %arg11: memref<10000x128xf32, #tpu.memory_space<hbm>>, %arg12: memref<4x128xi32, #tpu.memory_space<vmem>>, %arg13: memref<2x128x128xf32, #tpu.memory_space<vmem>>, %arg14: memref<10240x128xf32, #tpu.memory_space<vmem_shared>>, %arg15: memref<!tpu.dma_semaphore, #tpu.memory_space<semaphore_mem>>, %arg16: memref<!tpu.dma_semaphore, #tpu.memory_space<semaphore_mem>>) attributes {dimension_semantics = [#tpu.dimension_semantics<core_parallel>, #tpu.dimension_semantics<subcore_parallel>], iteration_bounds = array<i64: 2, 16>, scalar_prefetch = 0 : i64, scratch_operands = 5 : i64, tpu.core_type = #tpu.core_type<sc_vector_subcore>, window_params = [{transform_indices = #map}, {transform_indices = #map}, {transform_indices = #map}, {transform_indices = #map}, {transform_indices = #map1}, {transform_indices = #map}, {transform_indices = #map}, {transform_indices = #map}, {transform_indices = #map}, {transform_indices = #map}]} {
    %eq3A = arith.constant 0 : i32
    %eq3A_0 = arith.cmpi eq, %arg0, %eq3A : i32
    %convert_element_type3A = arith.extui %eq3A_0 : i1 to i32
    %cond3A = arith.constant 0 : i32
    %cond3A_1 = arith.cmpi ne, %convert_element_type3A, %cond3A : i32
    scf.if %cond3A_1 {
      %mul3A = arith.constant 640 : i32
      %mul3A_7 = arith.muli %arg1, %mul3A : i32
      "tpu.region"() ({
        %run_scoped3A = tpu.sem_alloc : memref<!tpu.dma_semaphore, #tpu.memory_space<semaphore_mem>>
        %dma_start3A = arith.constant 0 : i32
        %dma_start3A_45 = tpu.memref_slice %arg14[%mul3A_7, %dma_start3A] : memref<10240x128xf32, #tpu.memory_space<vmem_shared>> -> memref<640x128xf32, #tpu.memory_space<vmem_shared>>
        tpu.enqueue_dma source(%arg7 : memref<640x128xf32, #tpu.memory_space<hbm>>) target(%dma_start3A_45 : memref<640x128xf32, #tpu.memory_space<vmem_shared>>) target_semaphore(%run_scoped3A : memref<!tpu.dma_semaphore, #tpu.memory_space<semaphore_mem>>)
        %dma_wait3A = arith.constant 0 : i32
        %dma_wait3A_46 = tpu.memref_slice %arg14[%mul3A_7, %dma_wait3A] : memref<10240x128xf32, #tpu.memory_space<vmem_shared>> -> memref<640x128xf32, #tpu.memory_space<vmem_shared>>
        tpu.wait_dma2 semaphore(%run_scoped3A : memref<!tpu.dma_semaphore, #tpu.memory_space<semaphore_mem>>) src(%arg7 : memref<640x128xf32, #tpu.memory_space<hbm>>) dst(%dma_wait3A_46 : memref<640x128xf32, #tpu.memory_space<vmem_shared>>)
        tpu.yield
      }) : () -> ()
      %barrier3A = arith.constant 0 : index
      tpu.barrier barrier_id(%barrier3A)
      %scan3A = arith.constant 0 : i32
      %scan3A_8 = arith.constant 0 : i32
      %scan3A_9 = arith.constant 79 : i32
      %scan3A_10 = arith.addi %scan3A_8, %scan3A_9 : i32
      %scan3A_11 = arith.constant 1 : i32
      scf.for %scan3A_45 = %scan3A_8 to %scan3A_10 step %scan3A_11  : i32 {
        "tpu.region"() ({
          %run_scoped3A_95 = tpu.sem_alloc : memref<!tpu.dma_semaphore, #tpu.memory_space<semaphore_mem>>
          %dma_start3A_96 = arith.constant 0 : i32
          %dma_start3A_97 = arith.constant 0 : i32
          %dma_start3A_98 = tpu.memref_slice %arg6[%arg1, %scan3A_45, %dma_start3A_96, %dma_start3A_97] : memref<16x79x4x128xi32, #tpu.memory_space<hbm>> -> memref<1x1x4x128xi32, #tpu.memory_space<hbm>>
          %dma_start3A_99 = tpu.memref_squeeze %dma_start3A_98 : memref<1x1x4x128xi32, #tpu.memory_space<hbm>> -> memref<4x128xi32, #tpu.memory_space<hbm>>
          %dma_start3A_100 = arith.constant 0 : i32
          %dma_start3A_101 = arith.constant 0 : i32
          %dma_start3A_102 = tpu.memref_slice %arg6[%arg1, %scan3A_45, %dma_start3A_100, %dma_start3A_101] : memref<16x79x4x128xi32, #tpu.memory_space<hbm>> -> memref<1x1x4x128xi32, #tpu.memory_space<hbm>>
          %dma_start3A_103 = tpu.memref_squeeze %dma_start3A_102 : memref<1x1x4x128xi32, #tpu.memory_space<hbm>> -> memref<4x128xi32, #tpu.memory_space<hbm>>
          tpu.enqueue_dma source(%dma_start3A_103 : memref<4x128xi32, #tpu.memory_space<hbm>>) target(%arg12 : memref<4x128xi32, #tpu.memory_space<vmem>>) target_semaphore(%run_scoped3A_95 : memref<!tpu.dma_semaphore, #tpu.memory_space<semaphore_mem>>)
          %dma_wait3A_104 = arith.constant 0 : i32
          %dma_wait3A_105 = arith.constant 0 : i32
          %dma_wait3A_106 = tpu.memref_slice %arg6[%arg1, %scan3A_45, %dma_wait3A_104, %dma_wait3A_105] : memref<16x79x4x128xi32, #tpu.memory_space<hbm>> -> memref<1x1x4x128xi32, #tpu.memory_space<hbm>>
          %dma_wait3A_107 = tpu.memref_squeeze %dma_wait3A_106 : memref<1x1x4x128xi32, #tpu.memory_space<hbm>> -> memref<4x128xi32, #tpu.memory_space<hbm>>
          %dma_wait3A_108 = arith.constant 0 : i32
          %dma_wait3A_109 = arith.constant 0 : i32
          %dma_wait3A_110 = tpu.memref_slice %arg6[%arg1, %scan3A_45, %dma_wait3A_108, %dma_wait3A_109] : memref<16x79x4x128xi32, #tpu.memory_space<hbm>> -> memref<1x1x4x128xi32, #tpu.memory_space<hbm>>
          %dma_wait3A_111 = tpu.memref_squeeze %dma_wait3A_110 : memref<1x1x4x128xi32, #tpu.memory_space<hbm>> -> memref<4x128xi32, #tpu.memory_space<hbm>>
          tpu.wait_dma2 semaphore(%run_scoped3A_95 : memref<!tpu.dma_semaphore, #tpu.memory_space<semaphore_mem>>) src(%dma_wait3A_111 : memref<4x128xi32, #tpu.memory_space<hbm>>) dst(%arg12 : memref<4x128xi32, #tpu.memory_space<vmem>>)
          tpu.yield
        }) : () -> ()
        %dma_start3A = arith.constant 0 : i32
        %dma_start3A_46 = arith.constant 0 : i32
        %dma_start3A_47 = arith.constant 0 : i32
        %dma_start3A_48 = arith.constant 0 : i32
        %dma_start3A_49 = tpu.memref_slice %arg13[%dma_start3A_46, %dma_start3A_47, %dma_start3A_48] : memref<2x128x128xf32, #tpu.memory_space<vmem>> -> memref<1x128x128xf32, #tpu.memory_space<vmem>>
        %dma_start3A_50 = tpu.memref_squeeze %dma_start3A_49 : memref<1x128x128xf32, #tpu.memory_space<vmem>> -> memref<128x128xf32, #tpu.memory_space<vmem>>
        %dma_start3A_51 = arith.constant 0 : i32
        %dma_start3A_52 = tpu.memref_slice %arg12[%dma_start3A, %dma_start3A_51] : memref<4x128xi32, #tpu.memory_space<vmem>> -> memref<1x128xi32, #tpu.memory_space<vmem>>
        %dma_start3A_53 = tpu.memref_squeeze %dma_start3A_52 : memref<1x128xi32, #tpu.memory_space<vmem>> -> memref<128xi32, #tpu.memory_space<vmem>>
        %dma_start3A_54 = arith.constant 0 : i32
        %dma_start3A_55 = arith.constant 0 : i32
        %dma_start3A_56 = tpu.memref_slice %arg2[%dma_start3A_54, %dma_start3A_55] : memref<10000x128xf32, #tpu.memory_space<hbm>> -> memref<10000x128xf32, #tpu.memory_space<hbm>>
        tpu.enqueue_indirect_dma source(%dma_start3A_56 : memref<10000x128xf32, #tpu.memory_space<hbm>>) target(%dma_start3A_50 : memref<128x128xf32, #tpu.memory_space<vmem>>) offsets(%dma_start3A_53 : memref<128xi32, #tpu.memory_space<vmem>>) semaphore(%arg15 : memref<!tpu.dma_semaphore, #tpu.memory_space<semaphore_mem>>)
        %dma_start3A_57 = arith.constant 1 : i32
        %dma_start3A_58 = arith.constant 1 : i32
        %dma_start3A_59 = arith.constant 0 : i32
        %dma_start3A_60 = arith.constant 0 : i32
        %dma_start3A_61 = tpu.memref_slice %arg13[%dma_start3A_58, %dma_start3A_59, %dma_start3A_60] : memref<2x128x128xf32, #tpu.memory_space<vmem>> -> memref<1x128x128xf32, #tpu.memory_space<vmem>>
        %dma_start3A_62 = tpu.memref_squeeze %dma_start3A_61 : memref<1x128x128xf32, #tpu.memory_space<vmem>> -> memref<128x128xf32, #tpu.memory_space<vmem>>
        %dma_start3A_63 = arith.constant 0 : i32
        %dma_start3A_64 = tpu.memref_slice %arg12[%dma_start3A_57, %dma_start3A_63] : memref<4x128xi32, #tpu.memory_space<vmem>> -> memref<1x128xi32, #tpu.memory_space<vmem>>
        %dma_start3A_65 = tpu.memref_squeeze %dma_start3A_64 : memref<1x128xi32, #tpu.memory_space<vmem>> -> memref<128xi32, #tpu.memory_space<vmem>>
        %dma_start3A_66 = arith.constant 0 : i32
        %dma_start3A_67 = arith.constant 0 : i32
        %dma_start3A_68 = tpu.memref_slice %arg2[%dma_start3A_66, %dma_start3A_67] : memref<10000x128xf32, #tpu.memory_space<hbm>> -> memref<10000x128xf32, #tpu.memory_space<hbm>>
        tpu.enqueue_indirect_dma source(%dma_start3A_68 : memref<10000x128xf32, #tpu.memory_space<hbm>>) target(%dma_start3A_62 : memref<128x128xf32, #tpu.memory_space<vmem>>) offsets(%dma_start3A_65 : memref<128xi32, #tpu.memory_space<vmem>>) semaphore(%arg16 : memref<!tpu.dma_semaphore, #tpu.memory_space<semaphore_mem>>)
        %dma_wait3A = arith.constant 0 : i32
        %dma_wait3A_69 = arith.constant 0 : i32
        %dma_wait3A_70 = arith.constant 0 : i32
        %dma_wait3A_71 = arith.constant 0 : i32
        %dma_wait3A_72 = tpu.memref_slice %arg13[%dma_wait3A_69, %dma_wait3A_70, %dma_wait3A_71] : memref<2x128x128xf32, #tpu.memory_space<vmem>> -> memref<1x128x128xf32, #tpu.memory_space<vmem>>
        %dma_wait3A_73 = tpu.memref_squeeze %dma_wait3A_72 : memref<1x128x128xf32, #tpu.memory_space<vmem>> -> memref<128x128xf32, #tpu.memory_space<vmem>>
        %dma_wait3A_74 = arith.constant 0 : i32
        %dma_wait3A_75 = tpu.memref_slice %arg12[%dma_wait3A, %dma_wait3A_74] : memref<4x128xi32, #tpu.memory_space<vmem>> -> memref<1x128xi32, #tpu.memory_space<vmem>>
        %dma_wait3A_76 = tpu.memref_squeeze %dma_wait3A_75 : memref<1x128xi32, #tpu.memory_space<vmem>> -> memref<128xi32, #tpu.memory_space<vmem>>
        %dma_wait3A_77 = arith.constant 0 : i32
        %dma_wait3A_78 = arith.constant 0 : i32
        %dma_wait3A_79 = tpu.memref_slice %arg2[%dma_wait3A_77, %dma_wait3A_78] : memref<10000x128xf32, #tpu.memory_space<hbm>> -> memref<10000x128xf32, #tpu.memory_space<hbm>>
        tpu.wait_indirect_dma semaphore(%arg15 : memref<!tpu.dma_semaphore, #tpu.memory_space<semaphore_mem>>) src(%dma_wait3A_79 : memref<10000x128xf32, #tpu.memory_space<hbm>>) dst(%dma_wait3A_73 : memref<128x128xf32, #tpu.memory_space<vmem>>)
        %run_scoped3A = arith.constant 0 : i32
        %run_scoped3A_80 = arith.constant 2 : i32
        "tpu.region"() ({
          %run_scoped3A_95 = tpu.sem_alloc : memref<!tpu.dma_semaphore, #tpu.memory_space<semaphore_mem>>
          %dma_start3A_96 = arith.constant 0 : i32
          %dma_start3A_97 = arith.constant 0 : i32
          %dma_start3A_98 = tpu.memref_slice %arg13[%run_scoped3A, %dma_start3A_96, %dma_start3A_97] : memref<2x128x128xf32, #tpu.memory_space<vmem>> -> memref<1x128x128xf32, #tpu.memory_space<vmem>>
          %dma_start3A_99 = tpu.memref_squeeze %dma_start3A_98 : memref<1x128x128xf32, #tpu.memory_space<vmem>> -> memref<128x128xf32, #tpu.memory_space<vmem>>
          %dma_start3A_100 = arith.constant 0 : i32
          %dma_start3A_101 = tpu.memref_slice %arg12[%run_scoped3A_80, %dma_start3A_100] : memref<4x128xi32, #tpu.memory_space<vmem>> -> memref<1x128xi32, #tpu.memory_space<vmem>>
          %dma_start3A_102 = tpu.memref_squeeze %dma_start3A_101 : memref<1x128xi32, #tpu.memory_space<vmem>> -> memref<128xi32, #tpu.memory_space<vmem>>
          %dma_start3A_103 = arith.constant 0 : i32
          %dma_start3A_104 = arith.constant 0 : i32
          %dma_start3A_105 = tpu.memref_slice %arg14[%dma_start3A_103, %dma_start3A_104] : memref<10240x128xf32, #tpu.memory_space<vmem_shared>> -> memref<10240x128xf32, #tpu.memory_space<vmem_shared>>
          tpu.enqueue_indirect_dma source(%dma_start3A_99 : memref<128x128xf32, #tpu.memory_space<vmem>>) target(%dma_start3A_105 : memref<10240x128xf32, #tpu.memory_space<vmem_shared>>) offsets(%dma_start3A_102 : memref<128xi32, #tpu.memory_space<vmem>>) semaphore(%run_scoped3A_95 : memref<!tpu.dma_semaphore, #tpu.memory_space<semaphore_mem>>) {add = true}
          %dma_wait3A_106 = arith.constant 0 : i32
          %dma_wait3A_107 = arith.constant 0 : i32
          %dma_wait3A_108 = tpu.memref_slice %arg13[%run_scoped3A, %dma_wait3A_106, %dma_wait3A_107] : memref<2x128x128xf32, #tpu.memory_space<vmem>> -> memref<1x128x128xf32, #tpu.memory_space<vmem>>
          %dma_wait3A_109 = tpu.memref_squeeze %dma_wait3A_108 : memref<1x128x128xf32, #tpu.memory_space<vmem>> -> memref<128x128xf32, #tpu.memory_space<vmem>>
          %dma_wait3A_110 = arith.constant 0 : i32
          %dma_wait3A_111 = tpu.memref_slice %arg12[%run_scoped3A_80, %dma_wait3A_110] : memref<4x128xi32, #tpu.memory_space<vmem>> -> memref<1x128xi32, #tpu.memory_space<vmem>>
          %dma_wait3A_112 = tpu.memref_squeeze %dma_wait3A_111 : memref<1x128xi32, #tpu.memory_space<vmem>> -> memref<128xi32, #tpu.memory_space<vmem>>
          %dma_wait3A_113 = arith.constant 0 : i32
          %dma_wait3A_114 = arith.constant 0 : i32
          %dma_wait3A_115 = tpu.memref_slice %arg14[%dma_wait3A_113, %dma_wait3A_114] : memref<10240x128xf32, #tpu.memory_space<vmem_shared>> -> memref<10240x128xf32, #tpu.memory_space<vmem_shared>>
          tpu.wait_indirect_dma semaphore(%run_scoped3A_95 : memref<!tpu.dma_semaphore, #tpu.memory_space<semaphore_mem>>) src(%dma_wait3A_109 : memref<128x128xf32, #tpu.memory_space<vmem>>) dst(%dma_wait3A_115 : memref<10240x128xf32, #tpu.memory_space<vmem_shared>>)
          tpu.yield
        }) : () -> ()
        %dma_wait3A_81 = arith.constant 1 : i32
        %dma_wait3A_82 = arith.constant 1 : i32
        %dma_wait3A_83 = arith.constant 0 : i32
        %dma_wait3A_84 = arith.constant 0 : i32
        %dma_wait3A_85 = tpu.memref_slice %arg13[%dma_wait3A_82, %dma_wait3A_83, %dma_wait3A_84] : memref<2x128x128xf32, #tpu.memory_space<vmem>> -> memref<1x128x128xf32, #tpu.memory_space<vmem>>
        %dma_wait3A_86 = tpu.memref_squeeze %dma_wait3A_85 : memref<1x128x128xf32, #tpu.memory_space<vmem>> -> memref<128x128xf32, #tpu.memory_space<vmem>>
        %dma_wait3A_87 = arith.constant 0 : i32
        %dma_wait3A_88 = tpu.memref_slice %arg12[%dma_wait3A_81, %dma_wait3A_87] : memref<4x128xi32, #tpu.memory_space<vmem>> -> memref<1x128xi32, #tpu.memory_space<vmem>>
        %dma_wait3A_89 = tpu.memref_squeeze %dma_wait3A_88 : memref<1x128xi32, #tpu.memory_space<vmem>> -> memref<128xi32, #tpu.memory_space<vmem>>
        %dma_wait3A_90 = arith.constant 0 : i32
        %dma_wait3A_91 = arith.constant 0 : i32
        %dma_wait3A_92 = tpu.memref_slice %arg2[%dma_wait3A_90, %dma_wait3A_91] : memref<10000x128xf32, #tpu.memory_space<hbm>> -> memref<10000x128xf32, #tpu.memory_space<hbm>>
        tpu.wait_indirect_dma semaphore(%arg16 : memref<!tpu.dma_semaphore, #tpu.memory_space<semaphore_mem>>) src(%dma_wait3A_92 : memref<10000x128xf32, #tpu.memory_space<hbm>>) dst(%dma_wait3A_86 : memref<128x128xf32, #tpu.memory_space<vmem>>)
        %run_scoped3A_93 = arith.constant 1 : i32
        %run_scoped3A_94 = arith.constant 3 : i32
        "tpu.region"() ({
          %run_scoped3A_95 = tpu.sem_alloc : memref<!tpu.dma_semaphore, #tpu.memory_space<semaphore_mem>>
          %dma_start3A_96 = arith.constant 0 : i32
          %dma_start3A_97 = arith.constant 0 : i32
          %dma_start3A_98 = tpu.memref_slice %arg13[%run_scoped3A_93, %dma_start3A_96, %dma_start3A_97] : memref<2x128x128xf32, #tpu.memory_space<vmem>> -> memref<1x128x128xf32, #tpu.memory_space<vmem>>
          %dma_start3A_99 = tpu.memref_squeeze %dma_start3A_98 : memref<1x128x128xf32, #tpu.memory_space<vmem>> -> memref<128x128xf32, #tpu.memory_space<vmem>>
          %dma_start3A_100 = arith.constant 0 : i32
          %dma_start3A_101 = tpu.memref_slice %arg12[%run_scoped3A_94, %dma_start3A_100] : memref<4x128xi32, #tpu.memory_space<vmem>> -> memref<1x128xi32, #tpu.memory_space<vmem>>
          %dma_start3A_102 = tpu.memref_squeeze %dma_start3A_101 : memref<1x128xi32, #tpu.memory_space<vmem>> -> memref<128xi32, #tpu.memory_space<vmem>>
          %dma_start3A_103 = arith.constant 0 : i32
          %dma_start3A_104 = arith.constant 0 : i32
          %dma_start3A_105 = tpu.memref_slice %arg14[%dma_start3A_103, %dma_start3A_104] : memref<10240x128xf32, #tpu.memory_space<vmem_shared>> -> memref<10240x128xf32, #tpu.memory_space<vmem_shared>>
          tpu.enqueue_indirect_dma source(%dma_start3A_99 : memref<128x128xf32, #tpu.memory_space<vmem>>) target(%dma_start3A_105 : memref<10240x128xf32, #tpu.memory_space<vmem_shared>>) offsets(%dma_start3A_102 : memref<128xi32, #tpu.memory_space<vmem>>) semaphore(%run_scoped3A_95 : memref<!tpu.dma_semaphore, #tpu.memory_space<semaphore_mem>>) {add = true}
          %dma_wait3A_106 = arith.constant 0 : i32
          %dma_wait3A_107 = arith.constant 0 : i32
          %dma_wait3A_108 = tpu.memref_slice %arg13[%run_scoped3A_93, %dma_wait3A_106, %dma_wait3A_107] : memref<2x128x128xf32, #tpu.memory_space<vmem>> -> memref<1x128x128xf32, #tpu.memory_space<vmem>>
          %dma_wait3A_109 = tpu.memref_squeeze %dma_wait3A_108 : memref<1x128x128xf32, #tpu.memory_space<vmem>> -> memref<128x128xf32, #tpu.memory_space<vmem>>
          %dma_wait3A_110 = arith.constant 0 : i32
          %dma_wait3A_111 = tpu.memref_slice %arg12[%run_scoped3A_94, %dma_wait3A_110] : memref<4x128xi32, #tpu.memory_space<vmem>> -> memref<1x128xi32, #tpu.memory_space<vmem>>
          %dma_wait3A_112 = tpu.memref_squeeze %dma_wait3A_111 : memref<1x128xi32, #tpu.memory_space<vmem>> -> memref<128xi32, #tpu.memory_space<vmem>>
          %dma_wait3A_113 = arith.constant 0 : i32
          %dma_wait3A_114 = arith.constant 0 : i32
          %dma_wait3A_115 = tpu.memref_slice %arg14[%dma_wait3A_113, %dma_wait3A_114] : memref<10240x128xf32, #tpu.memory_space<vmem_shared>> -> memref<10240x128xf32, #tpu.memory_space<vmem_shared>>
          tpu.wait_indirect_dma semaphore(%run_scoped3A_95 : memref<!tpu.dma_semaphore, #tpu.memory_space<semaphore_mem>>) src(%dma_wait3A_109 : memref<128x128xf32, #tpu.memory_space<vmem>>) dst(%dma_wait3A_115 : memref<10240x128xf32, #tpu.memory_space<vmem_shared>>)
          tpu.yield
        }) : () -> ()
      }
      %scan3A_12 = arith.constant 79 : i32
      %barrier3A_13 = arith.constant 0 : index
      tpu.barrier barrier_id(%barrier3A_13)
      %lt3A = arith.constant 15 : i32
      %lt3A_14 = arith.cmpi slt, %arg1, %lt3A : i32
      %convert_element_type3A_15 = arith.extui %lt3A_14 : i1 to i32
      %cond3A_16 = arith.constant 0 : i32
      %cond3A_17 = arith.cmpi ne, %convert_element_type3A_15, %cond3A_16 : i32
      scf.if %cond3A_17 {
        %mul3A_45 = arith.constant 640 : i32
        %mul3A_46 = arith.muli %arg1, %mul3A_45 : i32
        "tpu.region"() ({
          %run_scoped3A = tpu.sem_alloc : memref<!tpu.dma_semaphore, #tpu.memory_space<semaphore_mem>>
          %dma_start3A = arith.constant 0 : i32
          %dma_start3A_47 = tpu.memref_slice %arg8[%mul3A_46, %dma_start3A] : memref<10000x128xf32, #tpu.memory_space<hbm>> -> memref<640x128xf32, #tpu.memory_space<hbm>>
          %dma_start3A_48 = arith.constant 0 : i32
          %dma_start3A_49 = tpu.memref_slice %arg14[%mul3A_46, %dma_start3A_48] : memref<10240x128xf32, #tpu.memory_space<vmem_shared>> -> memref<640x128xf32, #tpu.memory_space<vmem_shared>>
          tpu.enqueue_dma source(%dma_start3A_49 : memref<640x128xf32, #tpu.memory_space<vmem_shared>>) target(%dma_start3A_47 : memref<640x128xf32, #tpu.memory_space<hbm>>) target_semaphore(%run_scoped3A : memref<!tpu.dma_semaphore, #tpu.memory_space<semaphore_mem>>)
          %dma_wait3A = arith.constant 0 : i32
          %dma_wait3A_50 = tpu.memref_slice %arg8[%mul3A_46, %dma_wait3A] : memref<10000x128xf32, #tpu.memory_space<hbm>> -> memref<640x128xf32, #tpu.memory_space<hbm>>
          %dma_wait3A_51 = arith.constant 0 : i32
          %dma_wait3A_52 = tpu.memref_slice %arg14[%mul3A_46, %dma_wait3A_51] : memref<10240x128xf32, #tpu.memory_space<vmem_shared>> -> memref<640x128xf32, #tpu.memory_space<vmem_shared>>
          tpu.wait_dma2 semaphore(%run_scoped3A : memref<!tpu.dma_semaphore, #tpu.memory_space<semaphore_mem>>) src(%dma_wait3A_52 : memref<640x128xf32, #tpu.memory_space<vmem_shared>>) dst(%dma_wait3A_50 : memref<640x128xf32, #tpu.memory_space<hbm>>)
          tpu.yield
        }) : () -> ()
      } else {
      }
      %eq3A_18 = arith.constant 15 : i32
      %eq3A_19 = arith.cmpi eq, %arg1, %eq3A_18 : i32
      %convert_element_type3A_20 = arith.extui %eq3A_19 : i1 to i32
      %cond3A_21 = arith.constant 0 : i32
      %cond3A_22 = arith.cmpi ne, %convert_element_type3A_20, %cond3A_21 : i32
      scf.if %cond3A_22 {
        "tpu.region"() ({
          %run_scoped3A = tpu.sem_alloc : memref<!tpu.dma_semaphore, #tpu.memory_space<semaphore_mem>>
          %dma_start3A = arith.constant 9600 : i32
          %dma_start3A_45 = arith.constant 0 : i32
          %dma_start3A_46 = tpu.memref_slice %arg8[%dma_start3A, %dma_start3A_45] : memref<10000x128xf32, #tpu.memory_space<hbm>> -> memref<400x128xf32, #tpu.memory_space<hbm>>
          %dma_start3A_47 = arith.constant 9600 : i32
          %dma_start3A_48 = arith.constant 0 : i32
          %dma_start3A_49 = tpu.memref_slice %arg14[%dma_start3A_47, %dma_start3A_48] : memref<10240x128xf32, #tpu.memory_space<vmem_shared>> -> memref<400x128xf32, #tpu.memory_space<vmem_shared>>
          tpu.enqueue_dma source(%dma_start3A_49 : memref<400x128xf32, #tpu.memory_space<vmem_shared>>) target(%dma_start3A_46 : memref<400x128xf32, #tpu.memory_space<hbm>>) target_semaphore(%run_scoped3A : memref<!tpu.dma_semaphore, #tpu.memory_space<semaphore_mem>>)
          %dma_wait3A = arith.constant 9600 : i32
          %dma_wait3A_50 = arith.constant 0 : i32
          %dma_wait3A_51 = tpu.memref_slice %arg8[%dma_wait3A, %dma_wait3A_50] : memref<10000x128xf32, #tpu.memory_space<hbm>> -> memref<400x128xf32, #tpu.memory_space<hbm>>
          %dma_wait3A_52 = arith.constant 9600 : i32
          %dma_wait3A_53 = arith.constant 0 : i32
          %dma_wait3A_54 = tpu.memref_slice %arg14[%dma_wait3A_52, %dma_wait3A_53] : memref<10240x128xf32, #tpu.memory_space<vmem_shared>> -> memref<400x128xf32, #tpu.memory_space<vmem_shared>>
          tpu.wait_dma2 semaphore(%run_scoped3A : memref<!tpu.dma_semaphore, #tpu.memory_space<semaphore_mem>>) src(%dma_wait3A_54 : memref<400x128xf32, #tpu.memory_space<vmem_shared>>) dst(%dma_wait3A_51 : memref<400x128xf32, #tpu.memory_space<hbm>>)
          tpu.yield
        }) : () -> ()
      } else {
      }
      %barrier3A_23 = arith.constant 0 : index
      tpu.barrier barrier_id(%barrier3A_23)
      %mul3A_24 = arith.constant 640 : i32
      %mul3A_25 = arith.muli %arg1, %mul3A_24 : i32
      "tpu.region"() ({
        %run_scoped3A = tpu.sem_alloc : memref<!tpu.dma_semaphore, #tpu.memory_space<semaphore_mem>>
        %dma_start3A = arith.constant 0 : i32
        %dma_start3A_45 = tpu.memref_slice %arg14[%mul3A_25, %dma_start3A] : memref<10240x128xf32, #tpu.memory_space<vmem_shared>> -> memref<640x128xf32, #tpu.memory_space<vmem_shared>>
        tpu.enqueue_dma source(%arg7 : memref<640x128xf32, #tpu.memory_space<hbm>>) target(%dma_start3A_45 : memref<640x128xf32, #tpu.memory_space<vmem_shared>>) target_semaphore(%run_scoped3A : memref<!tpu.dma_semaphore, #tpu.memory_space<semaphore_mem>>)
        %dma_wait3A = arith.constant 0 : i32
        %dma_wait3A_46 = tpu.memref_slice %arg14[%mul3A_25, %dma_wait3A] : memref<10240x128xf32, #tpu.memory_space<vmem_shared>> -> memref<640x128xf32, #tpu.memory_space<vmem_shared>>
        tpu.wait_dma2 semaphore(%run_scoped3A : memref<!tpu.dma_semaphore, #tpu.memory_space<semaphore_mem>>) src(%arg7 : memref<640x128xf32, #tpu.memory_space<hbm>>) dst(%dma_wait3A_46 : memref<640x128xf32, #tpu.memory_space<vmem_shared>>)
        tpu.yield
      }) : () -> ()
      %barrier3A_26 = arith.constant 0 : index
      tpu.barrier barrier_id(%barrier3A_26)
      %scan3A_27 = arith.constant 0 : i32
      %scan3A_28 = arith.constant 0 : i32
      %scan3A_29 = arith.constant 79 : i32
      %scan3A_30 = arith.addi %scan3A_28, %scan3A_29 : i32
      %scan3A_31 = arith.constant 1 : i32
      scf.for %scan3A_45 = %scan3A_28 to %scan3A_30 step %scan3A_31  : i32 {
        "tpu.region"() ({
          %run_scoped3A_95 = tpu.sem_alloc : memref<!tpu.dma_semaphore, #tpu.memory_space<semaphore_mem>>
          %dma_start3A_96 = arith.constant 0 : i32
          %dma_start3A_97 = arith.constant 0 : i32
          %dma_start3A_98 = tpu.memref_slice %arg6[%arg1, %scan3A_45, %dma_start3A_96, %dma_start3A_97] : memref<16x79x4x128xi32, #tpu.memory_space<hbm>> -> memref<1x1x4x128xi32, #tpu.memory_space<hbm>>
          %dma_start3A_99 = tpu.memref_squeeze %dma_start3A_98 : memref<1x1x4x128xi32, #tpu.memory_space<hbm>> -> memref<4x128xi32, #tpu.memory_space<hbm>>
          %dma_start3A_100 = arith.constant 0 : i32
          %dma_start3A_101 = arith.constant 0 : i32
          %dma_start3A_102 = tpu.memref_slice %arg6[%arg1, %scan3A_45, %dma_start3A_100, %dma_start3A_101] : memref<16x79x4x128xi32, #tpu.memory_space<hbm>> -> memref<1x1x4x128xi32, #tpu.memory_space<hbm>>
          %dma_start3A_103 = tpu.memref_squeeze %dma_start3A_102 : memref<1x1x4x128xi32, #tpu.memory_space<hbm>> -> memref<4x128xi32, #tpu.memory_space<hbm>>
          tpu.enqueue_dma source(%dma_start3A_103 : memref<4x128xi32, #tpu.memory_space<hbm>>) target(%arg12 : memref<4x128xi32, #tpu.memory_space<vmem>>) target_semaphore(%run_scoped3A_95 : memref<!tpu.dma_semaphore, #tpu.memory_space<semaphore_mem>>)
          %dma_wait3A_104 = arith.constant 0 : i32
          %dma_wait3A_105 = arith.constant 0 : i32
          %dma_wait3A_106 = tpu.memref_slice %arg6[%arg1, %scan3A_45, %dma_wait3A_104, %dma_wait3A_105] : memref<16x79x4x128xi32, #tpu.memory_space<hbm>> -> memref<1x1x4x128xi32, #tpu.memory_space<hbm>>
          %dma_wait3A_107 = tpu.memref_squeeze %dma_wait3A_106 : memref<1x1x4x128xi32, #tpu.memory_space<hbm>> -> memref<4x128xi32, #tpu.memory_space<hbm>>
          %dma_wait3A_108 = arith.constant 0 : i32
          %dma_wait3A_109 = arith.constant 0 : i32
          %dma_wait3A_110 = tpu.memref_slice %arg6[%arg1, %scan3A_45, %dma_wait3A_108, %dma_wait3A_109] : memref<16x79x4x128xi32, #tpu.memory_space<hbm>> -> memref<1x1x4x128xi32, #tpu.memory_space<hbm>>
          %dma_wait3A_111 = tpu.memref_squeeze %dma_wait3A_110 : memref<1x1x4x128xi32, #tpu.memory_space<hbm>> -> memref<4x128xi32, #tpu.memory_space<hbm>>
          tpu.wait_dma2 semaphore(%run_scoped3A_95 : memref<!tpu.dma_semaphore, #tpu.memory_space<semaphore_mem>>) src(%dma_wait3A_111 : memref<4x128xi32, #tpu.memory_space<hbm>>) dst(%arg12 : memref<4x128xi32, #tpu.memory_space<vmem>>)
          tpu.yield
        }) : () -> ()
        %dma_start3A = arith.constant 0 : i32
        %dma_start3A_46 = arith.constant 0 : i32
        %dma_start3A_47 = arith.constant 0 : i32
        %dma_start3A_48 = arith.constant 0 : i32
        %dma_start3A_49 = tpu.memref_slice %arg13[%dma_start3A_46, %dma_start3A_47, %dma_start3A_48] : memref<2x128x128xf32, #tpu.memory_space<vmem>> -> memref<1x128x128xf32, #tpu.memory_space<vmem>>
        %dma_start3A_50 = tpu.memref_squeeze %dma_start3A_49 : memref<1x128x128xf32, #tpu.memory_space<vmem>> -> memref<128x128xf32, #tpu.memory_space<vmem>>
        %dma_start3A_51 = arith.constant 0 : i32
        %dma_start3A_52 = tpu.memref_slice %arg12[%dma_start3A, %dma_start3A_51] : memref<4x128xi32, #tpu.memory_space<vmem>> -> memref<1x128xi32, #tpu.memory_space<vmem>>
        %dma_start3A_53 = tpu.memref_squeeze %dma_start3A_52 : memref<1x128xi32, #tpu.memory_space<vmem>> -> memref<128xi32, #tpu.memory_space<vmem>>
        %dma_start3A_54 = arith.constant 0 : i32
        %dma_start3A_55 = arith.constant 0 : i32
        %dma_start3A_56 = tpu.memref_slice %arg3[%dma_start3A_54, %dma_start3A_55] : memref<10000x128xf32, #tpu.memory_space<hbm>> -> memref<10000x128xf32, #tpu.memory_space<hbm>>
        tpu.enqueue_indirect_dma source(%dma_start3A_56 : memref<10000x128xf32, #tpu.memory_space<hbm>>) target(%dma_start3A_50 : memref<128x128xf32, #tpu.memory_space<vmem>>) offsets(%dma_start3A_53 : memref<128xi32, #tpu.memory_space<vmem>>) semaphore(%arg15 : memref<!tpu.dma_semaphore, #tpu.memory_space<semaphore_mem>>)
        %dma_start3A_57 = arith.constant 1 : i32
        %dma_start3A_58 = arith.constant 1 : i32
        %dma_start3A_59 = arith.constant 0 : i32
        %dma_start3A_60 = arith.constant 0 : i32
        %dma_start3A_61 = tpu.memref_slice %arg13[%dma_start3A_58, %dma_start3A_59, %dma_start3A_60] : memref<2x128x128xf32, #tpu.memory_space<vmem>> -> memref<1x128x128xf32, #tpu.memory_space<vmem>>
        %dma_start3A_62 = tpu.memref_squeeze %dma_start3A_61 : memref<1x128x128xf32, #tpu.memory_space<vmem>> -> memref<128x128xf32, #tpu.memory_space<vmem>>
        %dma_start3A_63 = arith.constant 0 : i32
        %dma_start3A_64 = tpu.memref_slice %arg12[%dma_start3A_57, %dma_start3A_63] : memref<4x128xi32, #tpu.memory_space<vmem>> -> memref<1x128xi32, #tpu.memory_space<vmem>>
        %dma_start3A_65 = tpu.memref_squeeze %dma_start3A_64 : memref<1x128xi32, #tpu.memory_space<vmem>> -> memref<128xi32, #tpu.memory_space<vmem>>
        %dma_start3A_66 = arith.constant 0 : i32
        %dma_start3A_67 = arith.constant 0 : i32
        %dma_start3A_68 = tpu.memref_slice %arg3[%dma_start3A_66, %dma_start3A_67] : memref<10000x128xf32, #tpu.memory_space<hbm>> -> memref<10000x128xf32, #tpu.memory_space<hbm>>
        tpu.enqueue_indirect_dma source(%dma_start3A_68 : memref<10000x128xf32, #tpu.memory_space<hbm>>) target(%dma_start3A_62 : memref<128x128xf32, #tpu.memory_space<vmem>>) offsets(%dma_start3A_65 : memref<128xi32, #tpu.memory_space<vmem>>) semaphore(%arg16 : memref<!tpu.dma_semaphore, #tpu.memory_space<semaphore_mem>>)
        %dma_wait3A = arith.constant 0 : i32
        %dma_wait3A_69 = arith.constant 0 : i32
        %dma_wait3A_70 = arith.constant 0 : i32
        %dma_wait3A_71 = arith.constant 0 : i32
        %dma_wait3A_72 = tpu.memref_slice %arg13[%dma_wait3A_69, %dma_wait3A_70, %dma_wait3A_71] : memref<2x128x128xf32, #tpu.memory_space<vmem>> -> memref<1x128x128xf32, #tpu.memory_space<vmem>>
        %dma_wait3A_73 = tpu.memref_squeeze %dma_wait3A_72 : memref<1x128x128xf32, #tpu.memory_space<vmem>> -> memref<128x128xf32, #tpu.memory_space<vmem>>
        %dma_wait3A_74 = arith.constant 0 : i32
        %dma_wait3A_75 = tpu.memref_slice %arg12[%dma_wait3A, %dma_wait3A_74] : memref<4x128xi32, #tpu.memory_space<vmem>> -> memref<1x128xi32, #tpu.memory_space<vmem>>
        %dma_wait3A_76 = tpu.memref_squeeze %dma_wait3A_75 : memref<1x128xi32, #tpu.memory_space<vmem>> -> memref<128xi32, #tpu.memory_space<vmem>>
        %dma_wait3A_77 = arith.constant 0 : i32
        %dma_wait3A_78 = arith.constant 0 : i32
        %dma_wait3A_79 = tpu.memref_slice %arg3[%dma_wait3A_77, %dma_wait3A_78] : memref<10000x128xf32, #tpu.memory_space<hbm>> -> memref<10000x128xf32, #tpu.memory_space<hbm>>
        tpu.wait_indirect_dma semaphore(%arg15 : memref<!tpu.dma_semaphore, #tpu.memory_space<semaphore_mem>>) src(%dma_wait3A_79 : memref<10000x128xf32, #tpu.memory_space<hbm>>) dst(%dma_wait3A_73 : memref<128x128xf32, #tpu.memory_space<vmem>>)
        %run_scoped3A = arith.constant 0 : i32
        %run_scoped3A_80 = arith.constant 2 : i32
        "tpu.region"() ({
          %run_scoped3A_95 = tpu.sem_alloc : memref<!tpu.dma_semaphore, #tpu.memory_space<semaphore_mem>>
          %dma_start3A_96 = arith.constant 0 : i32
          %dma_start3A_97 = arith.constant 0 : i32
          %dma_start3A_98 = tpu.memref_slice %arg13[%run_scoped3A, %dma_start3A_96, %dma_start3A_97] : memref<2x128x128xf32, #tpu.memory_space<vmem>> -> memref<1x128x128xf32, #tpu.memory_space<vmem>>
          %dma_start3A_99 = tpu.memref_squeeze %dma_start3A_98 : memref<1x128x128xf32, #tpu.memory_space<vmem>> -> memref<128x128xf32, #tpu.memory_space<vmem>>
          %dma_start3A_100 = arith.constant 0 : i32
          %dma_start3A_101 = tpu.memref_slice %arg12[%run_scoped3A_80, %dma_start3A_100] : memref<4x128xi32, #tpu.memory_space<vmem>> -> memref<1x128xi32, #tpu.memory_space<vmem>>
          %dma_start3A_102 = tpu.memref_squeeze %dma_start3A_101 : memref<1x128xi32, #tpu.memory_space<vmem>> -> memref<128xi32, #tpu.memory_space<vmem>>
          %dma_start3A_103 = arith.constant 0 : i32
          %dma_start3A_104 = arith.constant 0 : i32
          %dma_start3A_105 = tpu.memref_slice %arg14[%dma_start3A_103, %dma_start3A_104] : memref<10240x128xf32, #tpu.memory_space<vmem_shared>> -> memref<10240x128xf32, #tpu.memory_space<vmem_shared>>
          tpu.enqueue_indirect_dma source(%dma_start3A_99 : memref<128x128xf32, #tpu.memory_space<vmem>>) target(%dma_start3A_105 : memref<10240x128xf32, #tpu.memory_space<vmem_shared>>) offsets(%dma_start3A_102 : memref<128xi32, #tpu.memory_space<vmem>>) semaphore(%run_scoped3A_95 : memref<!tpu.dma_semaphore, #tpu.memory_space<semaphore_mem>>) {add = true}
          %dma_wait3A_106 = arith.constant 0 : i32
          %dma_wait3A_107 = arith.constant 0 : i32
          %dma_wait3A_108 = tpu.memref_slice %arg13[%run_scoped3A, %dma_wait3A_106, %dma_wait3A_107] : memref<2x128x128xf32, #tpu.memory_space<vmem>> -> memref<1x128x128xf32, #tpu.memory_space<vmem>>
          %dma_wait3A_109 = tpu.memref_squeeze %dma_wait3A_108 : memref<1x128x128xf32, #tpu.memory_space<vmem>> -> memref<128x128xf32, #tpu.memory_space<vmem>>
          %dma_wait3A_110 = arith.constant 0 : i32
          %dma_wait3A_111 = tpu.memref_slice %arg12[%run_scoped3A_80, %dma_wait3A_110] : memref<4x128xi32, #tpu.memory_space<vmem>> -> memref<1x128xi32, #tpu.memory_space<vmem>>
          %dma_wait3A_112 = tpu.memref_squeeze %dma_wait3A_111 : memref<1x128xi32, #tpu.memory_space<vmem>> -> memref<128xi32, #tpu.memory_space<vmem>>
          %dma_wait3A_113 = arith.constant 0 : i32
          %dma_wait3A_114 = arith.constant 0 : i32
          %dma_wait3A_115 = tpu.memref_slice %arg14[%dma_wait3A_113, %dma_wait3A_114] : memref<10240x128xf32, #tpu.memory_space<vmem_shared>> -> memref<10240x128xf32, #tpu.memory_space<vmem_shared>>
          tpu.wait_indirect_dma semaphore(%run_scoped3A_95 : memref<!tpu.dma_semaphore, #tpu.memory_space<semaphore_mem>>) src(%dma_wait3A_109 : memref<128x128xf32, #tpu.memory_space<vmem>>) dst(%dma_wait3A_115 : memref<10240x128xf32, #tpu.memory_space<vmem_shared>>)
          tpu.yield
        }) : () -> ()
        %dma_wait3A_81 = arith.constant 1 : i32
        %dma_wait3A_82 = arith.constant 1 : i32
        %dma_wait3A_83 = arith.constant 0 : i32
        %dma_wait3A_84 = arith.constant 0 : i32
        %dma_wait3A_85 = tpu.memref_slice %arg13[%dma_wait3A_82, %dma_wait3A_83, %dma_wait3A_84] : memref<2x128x128xf32, #tpu.memory_space<vmem>> -> memref<1x128x128xf32, #tpu.memory_space<vmem>>
        %dma_wait3A_86 = tpu.memref_squeeze %dma_wait3A_85 : memref<1x128x128xf32, #tpu.memory_space<vmem>> -> memref<128x128xf32, #tpu.memory_space<vmem>>
        %dma_wait3A_87 = arith.constant 0 : i32
        %dma_wait3A_88 = tpu.memref_slice %arg12[%dma_wait3A_81, %dma_wait3A_87] : memref<4x128xi32, #tpu.memory_space<vmem>> -> memref<1x128xi32, #tpu.memory_space<vmem>>
        %dma_wait3A_89 = tpu.memref_squeeze %dma_wait3A_88 : memref<1x128xi32, #tpu.memory_space<vmem>> -> memref<128xi32, #tpu.memory_space<vmem>>
        %dma_wait3A_90 = arith.constant 0 : i32
        %dma_wait3A_91 = arith.constant 0 : i32
        %dma_wait3A_92 = tpu.memref_slice %arg3[%dma_wait3A_90, %dma_wait3A_91] : memref<10000x128xf32, #tpu.memory_space<hbm>> -> memref<10000x128xf32, #tpu.memory_space<hbm>>
        tpu.wait_indirect_dma semaphore(%arg16 : memref<!tpu.dma_semaphore, #tpu.memory_space<semaphore_mem>>) src(%dma_wait3A_92 : memref<10000x128xf32, #tpu.memory_space<hbm>>) dst(%dma_wait3A_86 : memref<128x128xf32, #tpu.memory_space<vmem>>)
        %run_scoped3A_93 = arith.constant 1 : i32
        %run_scoped3A_94 = arith.constant 3 : i32
        "tpu.region"() ({
          %run_scoped3A_95 = tpu.sem_alloc : memref<!tpu.dma_semaphore, #tpu.memory_space<semaphore_mem>>
          %dma_start3A_96 = arith.constant 0 : i32
          %dma_start3A_97 = arith.constant 0 : i32
          %dma_start3A_98 = tpu.memref_slice %arg13[%run_scoped3A_93, %dma_start3A_96, %dma_start3A_97] : memref<2x128x128xf32, #tpu.memory_space<vmem>> -> memref<1x128x128xf32, #tpu.memory_space<vmem>>
          %dma_start3A_99 = tpu.memref_squeeze %dma_start3A_98 : memref<1x128x128xf32, #tpu.memory_space<vmem>> -> memref<128x128xf32, #tpu.memory_space<vmem>>
          %dma_start3A_100 = arith.constant 0 : i32
          %dma_start3A_101 = tpu.memref_slice %arg12[%run_scoped3A_94, %dma_start3A_100] : memref<4x128xi32, #tpu.memory_space<vmem>> -> memref<1x128xi32, #tpu.memory_space<vmem>>
          %dma_start3A_102 = tpu.memref_squeeze %dma_start3A_101 : memref<1x128xi32, #tpu.memory_space<vmem>> -> memref<128xi32, #tpu.memory_space<vmem>>
          %dma_start3A_103 = arith.constant 0 : i32
          %dma_start3A_104 = arith.constant 0 : i32
          %dma_start3A_105 = tpu.memref_slice %arg14[%dma_start3A_103, %dma_start3A_104] : memref<10240x128xf32, #tpu.memory_space<vmem_shared>> -> memref<10240x128xf32, #tpu.memory_space<vmem_shared>>
          tpu.enqueue_indirect_dma source(%dma_start3A_99 : memref<128x128xf32, #tpu.memory_space<vmem>>) target(%dma_start3A_105 : memref<10240x128xf32, #tpu.memory_space<vmem_shared>>) offsets(%dma_start3A_102 : memref<128xi32, #tpu.memory_space<vmem>>) semaphore(%run_scoped3A_95 : memref<!tpu.dma_semaphore, #tpu.memory_space<semaphore_mem>>) {add = true}
          %dma_wait3A_106 = arith.constant 0 : i32
          %dma_wait3A_107 = arith.constant 0 : i32
          %dma_wait3A_108 = tpu.memref_slice %arg13[%run_scoped3A_93, %dma_wait3A_106, %dma_wait3A_107] : memref<2x128x128xf32, #tpu.memory_space<vmem>> -> memref<1x128x128xf32, #tpu.memory_space<vmem>>
          %dma_wait3A_109 = tpu.memref_squeeze %dma_wait3A_108 : memref<1x128x128xf32, #tpu.memory_space<vmem>> -> memref<128x128xf32, #tpu.memory_space<vmem>>
          %dma_wait3A_110 = arith.constant 0 : i32
          %dma_wait3A_111 = tpu.memref_slice %arg12[%run_scoped3A_94, %dma_wait3A_110] : memref<4x128xi32, #tpu.memory_space<vmem>> -> memref<1x128xi32, #tpu.memory_space<vmem>>
          %dma_wait3A_112 = tpu.memref_squeeze %dma_wait3A_111 : memref<1x128xi32, #tpu.memory_space<vmem>> -> memref<128xi32, #tpu.memory_space<vmem>>
          %dma_wait3A_113 = arith.constant 0 : i32
          %dma_wait3A_114 = arith.constant 0 : i32
          %dma_wait3A_115 = tpu.memref_slice %arg14[%dma_wait3A_113, %dma_wait3A_114] : memref<10240x128xf32, #tpu.memory_space<vmem_shared>> -> memref<10240x128xf32, #tpu.memory_space<vmem_shared>>
          tpu.wait_indirect_dma semaphore(%run_scoped3A_95 : memref<!tpu.dma_semaphore, #tpu.memory_space<semaphore_mem>>) src(%dma_wait3A_109 : memref<128x128xf32, #tpu.memory_space<vmem>>) dst(%dma_wait3A_115 : memref<10240x128xf32, #tpu.memory_space<vmem_shared>>)
          tpu.yield
        }) : () -> ()
      }
      %scan3A_32 = arith.constant 79 : i32
      %barrier3A_33 = arith.constant 0 : index
      tpu.barrier barrier_id(%barrier3A_33)
      %lt3A_34 = arith.constant 15 : i32
      %lt3A_35 = arith.cmpi slt, %arg1, %lt3A_34 : i32
      %convert_element_type3A_36 = arith.extui %lt3A_35 : i1 to i32
      %cond3A_37 = arith.constant 0 : i32
      %cond3A_38 = arith.cmpi ne, %convert_element_type3A_36, %cond3A_37 : i32
      scf.if %cond3A_38 {
        %mul3A_45 = arith.constant 640 : i32
        %mul3A_46 = arith.muli %arg1, %mul3A_45 : i32
        "tpu.region"() ({
          %run_scoped3A = tpu.sem_alloc : memref<!tpu.dma_semaphore, #tpu.memory_space<semaphore_mem>>
          %dma_start3A = arith.constant 0 : i32
          %dma_start3A_47 = tpu.memref_slice %arg9[%mul3A_46, %dma_start3A] : memref<10000x128xf32, #tpu.memory_space<hbm>> -> memref<640x128xf32, #tpu.memory_space<hbm>>
          %dma_start3A_48 = arith.constant 0 : i32
          %dma_start3A_49 = tpu.memref_slice %arg14[%mul3A_46, %dma_start3A_48] : memref<10240x128xf32, #tpu.memory_space<vmem_shared>> -> memref<640x128xf32, #tpu.memory_space<vmem_shared>>
          tpu.enqueue_dma source(%dma_start3A_49 : memref<640x128xf32, #tpu.memory_space<vmem_shared>>) target(%dma_start3A_47 : memref<640x128xf32, #tpu.memory_space<hbm>>) target_semaphore(%run_scoped3A : memref<!tpu.dma_semaphore, #tpu.memory_space<semaphore_mem>>)
          %dma_wait3A = arith.constant 0 : i32
          %dma_wait3A_50 = tpu.memref_slice %arg9[%mul3A_46, %dma_wait3A] : memref<10000x128xf32, #tpu.memory_space<hbm>> -> memref<640x128xf32, #tpu.memory_space<hbm>>
          %dma_wait3A_51 = arith.constant 0 : i32
          %dma_wait3A_52 = tpu.memref_slice %arg14[%mul3A_46, %dma_wait3A_51] : memref<10240x128xf32, #tpu.memory_space<vmem_shared>> -> memref<640x128xf32, #tpu.memory_space<vmem_shared>>
          tpu.wait_dma2 semaphore(%run_scoped3A : memref<!tpu.dma_semaphore, #tpu.memory_space<semaphore_mem>>) src(%dma_wait3A_52 : memref<640x128xf32, #tpu.memory_space<vmem_shared>>) dst(%dma_wait3A_50 : memref<640x128xf32, #tpu.memory_space<hbm>>)
          tpu.yield
        }) : () -> ()
      } else {
      }
      %eq3A_39 = arith.constant 15 : i32
      %eq3A_40 = arith.cmpi eq, %arg1, %eq3A_39 : i32
      %convert_element_type3A_41 = arith.extui %eq3A_40 : i1 to i32
      %cond3A_42 = arith.constant 0 : i32
      %cond3A_43 = arith.cmpi ne, %convert_element_type3A_41, %cond3A_42 : i32
      scf.if %cond3A_43 {
        "tpu.region"() ({
          %run_scoped3A = tpu.sem_alloc : memref<!tpu.dma_semaphore, #tpu.memory_space<semaphore_mem>>
          %dma_start3A = arith.constant 9600 : i32
          %dma_start3A_45 = arith.constant 0 : i32
          %dma_start3A_46 = tpu.memref_slice %arg9[%dma_start3A, %dma_start3A_45] : memref<10000x128xf32, #tpu.memory_space<hbm>> -> memref<400x128xf32, #tpu.memory_space<hbm>>
          %dma_start3A_47 = arith.constant 9600 : i32
          %dma_start3A_48 = arith.constant 0 : i32
          %dma_start3A_49 = tpu.memref_slice %arg14[%dma_start3A_47, %dma_start3A_48] : memref<10240x128xf32, #tpu.memory_space<vmem_shared>> -> memref<400x128xf32, #tpu.memory_space<vmem_shared>>
          tpu.enqueue_dma source(%dma_start3A_49 : memref<400x128xf32, #tpu.memory_space<vmem_shared>>) target(%dma_start3A_46 : memref<400x128xf32, #tpu.memory_space<hbm>>) target_semaphore(%run_scoped3A : memref<!tpu.dma_semaphore, #tpu.memory_space<semaphore_mem>>)
          %dma_wait3A = arith.constant 9600 : i32
          %dma_wait3A_50 = arith.constant 0 : i32
          %dma_wait3A_51 = tpu.memref_slice %arg9[%dma_wait3A, %dma_wait3A_50] : memref<10000x128xf32, #tpu.memory_space<hbm>> -> memref<400x128xf32, #tpu.memory_space<hbm>>
          %dma_wait3A_52 = arith.constant 9600 : i32
          %dma_wait3A_53 = arith.constant 0 : i32
          %dma_wait3A_54 = tpu.memref_slice %arg14[%dma_wait3A_52, %dma_wait3A_53] : memref<10240x128xf32, #tpu.memory_space<vmem_shared>> -> memref<400x128xf32, #tpu.memory_space<vmem_shared>>
          tpu.wait_dma2 semaphore(%run_scoped3A : memref<!tpu.dma_semaphore, #tpu.memory_space<semaphore_mem>>) src(%dma_wait3A_54 : memref<400x128xf32, #tpu.memory_space<vmem_shared>>) dst(%dma_wait3A_51 : memref<400x128xf32, #tpu.memory_space<hbm>>)
          tpu.yield
        }) : () -> ()
      } else {
      }
      %barrier3A_44 = arith.constant 0 : index
      tpu.barrier barrier_id(%barrier3A_44)
    } else {
    }
    %eq3A_2 = arith.constant 1 : i32
    %eq3A_3 = arith.cmpi eq, %arg0, %eq3A_2 : i32
    %convert_element_type3A_4 = arith.extui %eq3A_3 : i1 to i32
    %cond3A_5 = arith.constant 0 : i32
    %cond3A_6 = arith.cmpi ne, %convert_element_type3A_4, %cond3A_5 : i32
    scf.if %cond3A_6 {
      %mul3A = arith.constant 640 : i32
      %mul3A_7 = arith.muli %arg1, %mul3A : i32
      "tpu.region"() ({
        %run_scoped3A = tpu.sem_alloc : memref<!tpu.dma_semaphore, #tpu.memory_space<semaphore_mem>>
        %dma_start3A = arith.constant 0 : i32
        %dma_start3A_45 = tpu.memref_slice %arg14[%mul3A_7, %dma_start3A] : memref<10240x128xf32, #tpu.memory_space<vmem_shared>> -> memref<640x128xf32, #tpu.memory_space<vmem_shared>>
        tpu.enqueue_dma source(%arg7 : memref<640x128xf32, #tpu.memory_space<hbm>>) target(%dma_start3A_45 : memref<640x128xf32, #tpu.memory_space<vmem_shared>>) target_semaphore(%run_scoped3A : memref<!tpu.dma_semaphore, #tpu.memory_space<semaphore_mem>>)
        %dma_wait3A = arith.constant 0 : i32
        %dma_wait3A_46 = tpu.memref_slice %arg14[%mul3A_7, %dma_wait3A] : memref<10240x128xf32, #tpu.memory_space<vmem_shared>> -> memref<640x128xf32, #tpu.memory_space<vmem_shared>>
        tpu.wait_dma2 semaphore(%run_scoped3A : memref<!tpu.dma_semaphore, #tpu.memory_space<semaphore_mem>>) src(%arg7 : memref<640x128xf32, #tpu.memory_space<hbm>>) dst(%dma_wait3A_46 : memref<640x128xf32, #tpu.memory_space<vmem_shared>>)
        tpu.yield
      }) : () -> ()
      %barrier3A = arith.constant 0 : index
      tpu.barrier barrier_id(%barrier3A)
      %scan3A = arith.constant 0 : i32
      %scan3A_8 = arith.constant 0 : i32
      %scan3A_9 = arith.constant 79 : i32
      %scan3A_10 = arith.addi %scan3A_8, %scan3A_9 : i32
      %scan3A_11 = arith.constant 1 : i32
      scf.for %scan3A_45 = %scan3A_8 to %scan3A_10 step %scan3A_11  : i32 {
        "tpu.region"() ({
          %run_scoped3A_95 = tpu.sem_alloc : memref<!tpu.dma_semaphore, #tpu.memory_space<semaphore_mem>>
          %dma_start3A_96 = arith.constant 0 : i32
          %dma_start3A_97 = arith.constant 0 : i32
          %dma_start3A_98 = tpu.memref_slice %arg6[%arg1, %scan3A_45, %dma_start3A_96, %dma_start3A_97] : memref<16x79x4x128xi32, #tpu.memory_space<hbm>> -> memref<1x1x4x128xi32, #tpu.memory_space<hbm>>
          %dma_start3A_99 = tpu.memref_squeeze %dma_start3A_98 : memref<1x1x4x128xi32, #tpu.memory_space<hbm>> -> memref<4x128xi32, #tpu.memory_space<hbm>>
          %dma_start3A_100 = arith.constant 0 : i32
          %dma_start3A_101 = arith.constant 0 : i32
          %dma_start3A_102 = tpu.memref_slice %arg6[%arg1, %scan3A_45, %dma_start3A_100, %dma_start3A_101] : memref<16x79x4x128xi32, #tpu.memory_space<hbm>> -> memref<1x1x4x128xi32, #tpu.memory_space<hbm>>
          %dma_start3A_103 = tpu.memref_squeeze %dma_start3A_102 : memref<1x1x4x128xi32, #tpu.memory_space<hbm>> -> memref<4x128xi32, #tpu.memory_space<hbm>>
          tpu.enqueue_dma source(%dma_start3A_103 : memref<4x128xi32, #tpu.memory_space<hbm>>) target(%arg12 : memref<4x128xi32, #tpu.memory_space<vmem>>) target_semaphore(%run_scoped3A_95 : memref<!tpu.dma_semaphore, #tpu.memory_space<semaphore_mem>>)
          %dma_wait3A_104 = arith.constant 0 : i32
          %dma_wait3A_105 = arith.constant 0 : i32
          %dma_wait3A_106 = tpu.memref_slice %arg6[%arg1, %scan3A_45, %dma_wait3A_104, %dma_wait3A_105] : memref<16x79x4x128xi32, #tpu.memory_space<hbm>> -> memref<1x1x4x128xi32, #tpu.memory_space<hbm>>
          %dma_wait3A_107 = tpu.memref_squeeze %dma_wait3A_106 : memref<1x1x4x128xi32, #tpu.memory_space<hbm>> -> memref<4x128xi32, #tpu.memory_space<hbm>>
          %dma_wait3A_108 = arith.constant 0 : i32
          %dma_wait3A_109 = arith.constant 0 : i32
          %dma_wait3A_110 = tpu.memref_slice %arg6[%arg1, %scan3A_45, %dma_wait3A_108, %dma_wait3A_109] : memref<16x79x4x128xi32, #tpu.memory_space<hbm>> -> memref<1x1x4x128xi32, #tpu.memory_space<hbm>>
          %dma_wait3A_111 = tpu.memref_squeeze %dma_wait3A_110 : memref<1x1x4x128xi32, #tpu.memory_space<hbm>> -> memref<4x128xi32, #tpu.memory_space<hbm>>
          tpu.wait_dma2 semaphore(%run_scoped3A_95 : memref<!tpu.dma_semaphore, #tpu.memory_space<semaphore_mem>>) src(%dma_wait3A_111 : memref<4x128xi32, #tpu.memory_space<hbm>>) dst(%arg12 : memref<4x128xi32, #tpu.memory_space<vmem>>)
          tpu.yield
        }) : () -> ()
        %dma_start3A = arith.constant 0 : i32
        %dma_start3A_46 = arith.constant 0 : i32
        %dma_start3A_47 = arith.constant 0 : i32
        %dma_start3A_48 = arith.constant 0 : i32
        %dma_start3A_49 = tpu.memref_slice %arg13[%dma_start3A_46, %dma_start3A_47, %dma_start3A_48] : memref<2x128x128xf32, #tpu.memory_space<vmem>> -> memref<1x128x128xf32, #tpu.memory_space<vmem>>
        %dma_start3A_50 = tpu.memref_squeeze %dma_start3A_49 : memref<1x128x128xf32, #tpu.memory_space<vmem>> -> memref<128x128xf32, #tpu.memory_space<vmem>>
        %dma_start3A_51 = arith.constant 0 : i32
        %dma_start3A_52 = tpu.memref_slice %arg12[%dma_start3A, %dma_start3A_51] : memref<4x128xi32, #tpu.memory_space<vmem>> -> memref<1x128xi32, #tpu.memory_space<vmem>>
        %dma_start3A_53 = tpu.memref_squeeze %dma_start3A_52 : memref<1x128xi32, #tpu.memory_space<vmem>> -> memref<128xi32, #tpu.memory_space<vmem>>
        %dma_start3A_54 = arith.constant 0 : i32
        %dma_start3A_55 = arith.constant 0 : i32
        %dma_start3A_56 = tpu.memref_slice %arg4[%dma_start3A_54, %dma_start3A_55] : memref<10000x128xf32, #tpu.memory_space<hbm>> -> memref<10000x128xf32, #tpu.memory_space<hbm>>
        tpu.enqueue_indirect_dma source(%dma_start3A_56 : memref<10000x128xf32, #tpu.memory_space<hbm>>) target(%dma_start3A_50 : memref<128x128xf32, #tpu.memory_space<vmem>>) offsets(%dma_start3A_53 : memref<128xi32, #tpu.memory_space<vmem>>) semaphore(%arg15 : memref<!tpu.dma_semaphore, #tpu.memory_space<semaphore_mem>>)
        %dma_start3A_57 = arith.constant 1 : i32
        %dma_start3A_58 = arith.constant 1 : i32
        %dma_start3A_59 = arith.constant 0 : i32
        %dma_start3A_60 = arith.constant 0 : i32
        %dma_start3A_61 = tpu.memref_slice %arg13[%dma_start3A_58, %dma_start3A_59, %dma_start3A_60] : memref<2x128x128xf32, #tpu.memory_space<vmem>> -> memref<1x128x128xf32, #tpu.memory_space<vmem>>
        %dma_start3A_62 = tpu.memref_squeeze %dma_start3A_61 : memref<1x128x128xf32, #tpu.memory_space<vmem>> -> memref<128x128xf32, #tpu.memory_space<vmem>>
        %dma_start3A_63 = arith.constant 0 : i32
        %dma_start3A_64 = tpu.memref_slice %arg12[%dma_start3A_57, %dma_start3A_63] : memref<4x128xi32, #tpu.memory_space<vmem>> -> memref<1x128xi32, #tpu.memory_space<vmem>>
        %dma_start3A_65 = tpu.memref_squeeze %dma_start3A_64 : memref<1x128xi32, #tpu.memory_space<vmem>> -> memref<128xi32, #tpu.memory_space<vmem>>
        %dma_start3A_66 = arith.constant 0 : i32
        %dma_start3A_67 = arith.constant 0 : i32
        %dma_start3A_68 = tpu.memref_slice %arg4[%dma_start3A_66, %dma_start3A_67] : memref<10000x128xf32, #tpu.memory_space<hbm>> -> memref<10000x128xf32, #tpu.memory_space<hbm>>
        tpu.enqueue_indirect_dma source(%dma_start3A_68 : memref<10000x128xf32, #tpu.memory_space<hbm>>) target(%dma_start3A_62 : memref<128x128xf32, #tpu.memory_space<vmem>>) offsets(%dma_start3A_65 : memref<128xi32, #tpu.memory_space<vmem>>) semaphore(%arg16 : memref<!tpu.dma_semaphore, #tpu.memory_space<semaphore_mem>>)
        %dma_wait3A = arith.constant 0 : i32
        %dma_wait3A_69 = arith.constant 0 : i32
        %dma_wait3A_70 = arith.constant 0 : i32
        %dma_wait3A_71 = arith.constant 0 : i32
        %dma_wait3A_72 = tpu.memref_slice %arg13[%dma_wait3A_69, %dma_wait3A_70, %dma_wait3A_71] : memref<2x128x128xf32, #tpu.memory_space<vmem>> -> memref<1x128x128xf32, #tpu.memory_space<vmem>>
        %dma_wait3A_73 = tpu.memref_squeeze %dma_wait3A_72 : memref<1x128x128xf32, #tpu.memory_space<vmem>> -> memref<128x128xf32, #tpu.memory_space<vmem>>
        %dma_wait3A_74 = arith.constant 0 : i32
        %dma_wait3A_75 = tpu.memref_slice %arg12[%dma_wait3A, %dma_wait3A_74] : memref<4x128xi32, #tpu.memory_space<vmem>> -> memref<1x128xi32, #tpu.memory_space<vmem>>
        %dma_wait3A_76 = tpu.memref_squeeze %dma_wait3A_75 : memref<1x128xi32, #tpu.memory_space<vmem>> -> memref<128xi32, #tpu.memory_space<vmem>>
        %dma_wait3A_77 = arith.constant 0 : i32
        %dma_wait3A_78 = arith.constant 0 : i32
        %dma_wait3A_79 = tpu.memref_slice %arg4[%dma_wait3A_77, %dma_wait3A_78] : memref<10000x128xf32, #tpu.memory_space<hbm>> -> memref<10000x128xf32, #tpu.memory_space<hbm>>
        tpu.wait_indirect_dma semaphore(%arg15 : memref<!tpu.dma_semaphore, #tpu.memory_space<semaphore_mem>>) src(%dma_wait3A_79 : memref<10000x128xf32, #tpu.memory_space<hbm>>) dst(%dma_wait3A_73 : memref<128x128xf32, #tpu.memory_space<vmem>>)
        %run_scoped3A = arith.constant 0 : i32
        %run_scoped3A_80 = arith.constant 2 : i32
        "tpu.region"() ({
          %run_scoped3A_95 = tpu.sem_alloc : memref<!tpu.dma_semaphore, #tpu.memory_space<semaphore_mem>>
          %dma_start3A_96 = arith.constant 0 : i32
          %dma_start3A_97 = arith.constant 0 : i32
          %dma_start3A_98 = tpu.memref_slice %arg13[%run_scoped3A, %dma_start3A_96, %dma_start3A_97] : memref<2x128x128xf32, #tpu.memory_space<vmem>> -> memref<1x128x128xf32, #tpu.memory_space<vmem>>
          %dma_start3A_99 = tpu.memref_squeeze %dma_start3A_98 : memref<1x128x128xf32, #tpu.memory_space<vmem>> -> memref<128x128xf32, #tpu.memory_space<vmem>>
          %dma_start3A_100 = arith.constant 0 : i32
          %dma_start3A_101 = tpu.memref_slice %arg12[%run_scoped3A_80, %dma_start3A_100] : memref<4x128xi32, #tpu.memory_space<vmem>> -> memref<1x128xi32, #tpu.memory_space<vmem>>
          %dma_start3A_102 = tpu.memref_squeeze %dma_start3A_101 : memref<1x128xi32, #tpu.memory_space<vmem>> -> memref<128xi32, #tpu.memory_space<vmem>>
          %dma_start3A_103 = arith.constant 0 : i32
          %dma_start3A_104 = arith.constant 0 : i32
          %dma_start3A_105 = tpu.memref_slice %arg14[%dma_start3A_103, %dma_start3A_104] : memref<10240x128xf32, #tpu.memory_space<vmem_shared>> -> memref<10240x128xf32, #tpu.memory_space<vmem_shared>>
          tpu.enqueue_indirect_dma source(%dma_start3A_99 : memref<128x128xf32, #tpu.memory_space<vmem>>) target(%dma_start3A_105 : memref<10240x128xf32, #tpu.memory_space<vmem_shared>>) offsets(%dma_start3A_102 : memref<128xi32, #tpu.memory_space<vmem>>) semaphore(%run_scoped3A_95 : memref<!tpu.dma_semaphore, #tpu.memory_space<semaphore_mem>>) {add = true}
          %dma_wait3A_106 = arith.constant 0 : i32
          %dma_wait3A_107 = arith.constant 0 : i32
          %dma_wait3A_108 = tpu.memref_slice %arg13[%run_scoped3A, %dma_wait3A_106, %dma_wait3A_107] : memref<2x128x128xf32, #tpu.memory_space<vmem>> -> memref<1x128x128xf32, #tpu.memory_space<vmem>>
          %dma_wait3A_109 = tpu.memref_squeeze %dma_wait3A_108 : memref<1x128x128xf32, #tpu.memory_space<vmem>> -> memref<128x128xf32, #tpu.memory_space<vmem>>
          %dma_wait3A_110 = arith.constant 0 : i32
          %dma_wait3A_111 = tpu.memref_slice %arg12[%run_scoped3A_80, %dma_wait3A_110] : memref<4x128xi32, #tpu.memory_space<vmem>> -> memref<1x128xi32, #tpu.memory_space<vmem>>
          %dma_wait3A_112 = tpu.memref_squeeze %dma_wait3A_111 : memref<1x128xi32, #tpu.memory_space<vmem>> -> memref<128xi32, #tpu.memory_space<vmem>>
          %dma_wait3A_113 = arith.constant 0 : i32
          %dma_wait3A_114 = arith.constant 0 : i32
          %dma_wait3A_115 = tpu.memref_slice %arg14[%dma_wait3A_113, %dma_wait3A_114] : memref<10240x128xf32, #tpu.memory_space<vmem_shared>> -> memref<10240x128xf32, #tpu.memory_space<vmem_shared>>
          tpu.wait_indirect_dma semaphore(%run_scoped3A_95 : memref<!tpu.dma_semaphore, #tpu.memory_space<semaphore_mem>>) src(%dma_wait3A_109 : memref<128x128xf32, #tpu.memory_space<vmem>>) dst(%dma_wait3A_115 : memref<10240x128xf32, #tpu.memory_space<vmem_shared>>)
          tpu.yield
        }) : () -> ()
        %dma_wait3A_81 = arith.constant 1 : i32
        %dma_wait3A_82 = arith.constant 1 : i32
        %dma_wait3A_83 = arith.constant 0 : i32
        %dma_wait3A_84 = arith.constant 0 : i32
        %dma_wait3A_85 = tpu.memref_slice %arg13[%dma_wait3A_82, %dma_wait3A_83, %dma_wait3A_84] : memref<2x128x128xf32, #tpu.memory_space<vmem>> -> memref<1x128x128xf32, #tpu.memory_space<vmem>>
        %dma_wait3A_86 = tpu.memref_squeeze %dma_wait3A_85 : memref<1x128x128xf32, #tpu.memory_space<vmem>> -> memref<128x128xf32, #tpu.memory_space<vmem>>
        %dma_wait3A_87 = arith.constant 0 : i32
        %dma_wait3A_88 = tpu.memref_slice %arg12[%dma_wait3A_81, %dma_wait3A_87] : memref<4x128xi32, #tpu.memory_space<vmem>> -> memref<1x128xi32, #tpu.memory_space<vmem>>
        %dma_wait3A_89 = tpu.memref_squeeze %dma_wait3A_88 : memref<1x128xi32, #tpu.memory_space<vmem>> -> memref<128xi32, #tpu.memory_space<vmem>>
        %dma_wait3A_90 = arith.constant 0 : i32
        %dma_wait3A_91 = arith.constant 0 : i32
        %dma_wait3A_92 = tpu.memref_slice %arg4[%dma_wait3A_90, %dma_wait3A_91] : memref<10000x128xf32, #tpu.memory_space<hbm>> -> memref<10000x128xf32, #tpu.memory_space<hbm>>
        tpu.wait_indirect_dma semaphore(%arg16 : memref<!tpu.dma_semaphore, #tpu.memory_space<semaphore_mem>>) src(%dma_wait3A_92 : memref<10000x128xf32, #tpu.memory_space<hbm>>) dst(%dma_wait3A_86 : memref<128x128xf32, #tpu.memory_space<vmem>>)
        %run_scoped3A_93 = arith.constant 1 : i32
        %run_scoped3A_94 = arith.constant 3 : i32
        "tpu.region"() ({
          %run_scoped3A_95 = tpu.sem_alloc : memref<!tpu.dma_semaphore, #tpu.memory_space<semaphore_mem>>
          %dma_start3A_96 = arith.constant 0 : i32
          %dma_start3A_97 = arith.constant 0 : i32
          %dma_start3A_98 = tpu.memref_slice %arg13[%run_scoped3A_93, %dma_start3A_96, %dma_start3A_97] : memref<2x128x128xf32, #tpu.memory_space<vmem>> -> memref<1x128x128xf32, #tpu.memory_space<vmem>>
          %dma_start3A_99 = tpu.memref_squeeze %dma_start3A_98 : memref<1x128x128xf32, #tpu.memory_space<vmem>> -> memref<128x128xf32, #tpu.memory_space<vmem>>
          %dma_start3A_100 = arith.constant 0 : i32
          %dma_start3A_101 = tpu.memref_slice %arg12[%run_scoped3A_94, %dma_start3A_100] : memref<4x128xi32, #tpu.memory_space<vmem>> -> memref<1x128xi32, #tpu.memory_space<vmem>>
          %dma_start3A_102 = tpu.memref_squeeze %dma_start3A_101 : memref<1x128xi32, #tpu.memory_space<vmem>> -> memref<128xi32, #tpu.memory_space<vmem>>
          %dma_start3A_103 = arith.constant 0 : i32
          %dma_start3A_104 = arith.constant 0 : i32
          %dma_start3A_105 = tpu.memref_slice %arg14[%dma_start3A_103, %dma_start3A_104] : memref<10240x128xf32, #tpu.memory_space<vmem_shared>> -> memref<10240x128xf32, #tpu.memory_space<vmem_shared>>
          tpu.enqueue_indirect_dma source(%dma_start3A_99 : memref<128x128xf32, #tpu.memory_space<vmem>>) target(%dma_start3A_105 : memref<10240x128xf32, #tpu.memory_space<vmem_shared>>) offsets(%dma_start3A_102 : memref<128xi32, #tpu.memory_space<vmem>>) semaphore(%run_scoped3A_95 : memref<!tpu.dma_semaphore, #tpu.memory_space<semaphore_mem>>) {add = true}
          %dma_wait3A_106 = arith.constant 0 : i32
          %dma_wait3A_107 = arith.constant 0 : i32
          %dma_wait3A_108 = tpu.memref_slice %arg13[%run_scoped3A_93, %dma_wait3A_106, %dma_wait3A_107] : memref<2x128x128xf32, #tpu.memory_space<vmem>> -> memref<1x128x128xf32, #tpu.memory_space<vmem>>
          %dma_wait3A_109 = tpu.memref_squeeze %dma_wait3A_108 : memref<1x128x128xf32, #tpu.memory_space<vmem>> -> memref<128x128xf32, #tpu.memory_space<vmem>>
          %dma_wait3A_110 = arith.constant 0 : i32
          %dma_wait3A_111 = tpu.memref_slice %arg12[%run_scoped3A_94, %dma_wait3A_110] : memref<4x128xi32, #tpu.memory_space<vmem>> -> memref<1x128xi32, #tpu.memory_space<vmem>>
          %dma_wait3A_112 = tpu.memref_squeeze %dma_wait3A_111 : memref<1x128xi32, #tpu.memory_space<vmem>> -> memref<128xi32, #tpu.memory_space<vmem>>
          %dma_wait3A_113 = arith.constant 0 : i32
          %dma_wait3A_114 = arith.constant 0 : i32
          %dma_wait3A_115 = tpu.memref_slice %arg14[%dma_wait3A_113, %dma_wait3A_114] : memref<10240x128xf32, #tpu.memory_space<vmem_shared>> -> memref<10240x128xf32, #tpu.memory_space<vmem_shared>>
          tpu.wait_indirect_dma semaphore(%run_scoped3A_95 : memref<!tpu.dma_semaphore, #tpu.memory_space<semaphore_mem>>) src(%dma_wait3A_109 : memref<128x128xf32, #tpu.memory_space<vmem>>) dst(%dma_wait3A_115 : memref<10240x128xf32, #tpu.memory_space<vmem_shared>>)
          tpu.yield
        }) : () -> ()
      }
      %scan3A_12 = arith.constant 79 : i32
      %barrier3A_13 = arith.constant 0 : index
      tpu.barrier barrier_id(%barrier3A_13)
      %lt3A = arith.constant 15 : i32
      %lt3A_14 = arith.cmpi slt, %arg1, %lt3A : i32
      %convert_element_type3A_15 = arith.extui %lt3A_14 : i1 to i32
      %cond3A_16 = arith.constant 0 : i32
      %cond3A_17 = arith.cmpi ne, %convert_element_type3A_15, %cond3A_16 : i32
      scf.if %cond3A_17 {
        %mul3A_45 = arith.constant 640 : i32
        %mul3A_46 = arith.muli %arg1, %mul3A_45 : i32
        "tpu.region"() ({
          %run_scoped3A = tpu.sem_alloc : memref<!tpu.dma_semaphore, #tpu.memory_space<semaphore_mem>>
          %dma_start3A = arith.constant 0 : i32
          %dma_start3A_47 = tpu.memref_slice %arg10[%mul3A_46, %dma_start3A] : memref<10000x128xf32, #tpu.memory_space<hbm>> -> memref<640x128xf32, #tpu.memory_space<hbm>>
          %dma_start3A_48 = arith.constant 0 : i32
          %dma_start3A_49 = tpu.memref_slice %arg14[%mul3A_46, %dma_start3A_48] : memref<10240x128xf32, #tpu.memory_space<vmem_shared>> -> memref<640x128xf32, #tpu.memory_space<vmem_shared>>
          tpu.enqueue_dma source(%dma_start3A_49 : memref<640x128xf32, #tpu.memory_space<vmem_shared>>) target(%dma_start3A_47 : memref<640x128xf32, #tpu.memory_space<hbm>>) target_semaphore(%run_scoped3A : memref<!tpu.dma_semaphore, #tpu.memory_space<semaphore_mem>>)
          %dma_wait3A = arith.constant 0 : i32
          %dma_wait3A_50 = tpu.memref_slice %arg10[%mul3A_46, %dma_wait3A] : memref<10000x128xf32, #tpu.memory_space<hbm>> -> memref<640x128xf32, #tpu.memory_space<hbm>>
          %dma_wait3A_51 = arith.constant 0 : i32
          %dma_wait3A_52 = tpu.memref_slice %arg14[%mul3A_46, %dma_wait3A_51] : memref<10240x128xf32, #tpu.memory_space<vmem_shared>> -> memref<640x128xf32, #tpu.memory_space<vmem_shared>>
          tpu.wait_dma2 semaphore(%run_scoped3A : memref<!tpu.dma_semaphore, #tpu.memory_space<semaphore_mem>>) src(%dma_wait3A_52 : memref<640x128xf32, #tpu.memory_space<vmem_shared>>) dst(%dma_wait3A_50 : memref<640x128xf32, #tpu.memory_space<hbm>>)
          tpu.yield
        }) : () -> ()
      } else {
      }
      %eq3A_18 = arith.constant 15 : i32
      %eq3A_19 = arith.cmpi eq, %arg1, %eq3A_18 : i32
      %convert_element_type3A_20 = arith.extui %eq3A_19 : i1 to i32
      %cond3A_21 = arith.constant 0 : i32
      %cond3A_22 = arith.cmpi ne, %convert_element_type3A_20, %cond3A_21 : i32
      scf.if %cond3A_22 {
        "tpu.region"() ({
          %run_scoped3A = tpu.sem_alloc : memref<!tpu.dma_semaphore, #tpu.memory_space<semaphore_mem>>
          %dma_start3A = arith.constant 9600 : i32
          %dma_start3A_45 = arith.constant 0 : i32
          %dma_start3A_46 = tpu.memref_slice %arg10[%dma_start3A, %dma_start3A_45] : memref<10000x128xf32, #tpu.memory_space<hbm>> -> memref<400x128xf32, #tpu.memory_space<hbm>>
          %dma_start3A_47 = arith.constant 9600 : i32
          %dma_start3A_48 = arith.constant 0 : i32
          %dma_start3A_49 = tpu.memref_slice %arg14[%dma_start3A_47, %dma_start3A_48] : memref<10240x128xf32, #tpu.memory_space<vmem_shared>> -> memref<400x128xf32, #tpu.memory_space<vmem_shared>>
          tpu.enqueue_dma source(%dma_start3A_49 : memref<400x128xf32, #tpu.memory_space<vmem_shared>>) target(%dma_start3A_46 : memref<400x128xf32, #tpu.memory_space<hbm>>) target_semaphore(%run_scoped3A : memref<!tpu.dma_semaphore, #tpu.memory_space<semaphore_mem>>)
          %dma_wait3A = arith.constant 9600 : i32
          %dma_wait3A_50 = arith.constant 0 : i32
          %dma_wait3A_51 = tpu.memref_slice %arg10[%dma_wait3A, %dma_wait3A_50] : memref<10000x128xf32, #tpu.memory_space<hbm>> -> memref<400x128xf32, #tpu.memory_space<hbm>>
          %dma_wait3A_52 = arith.constant 9600 : i32
          %dma_wait3A_53 = arith.constant 0 : i32
          %dma_wait3A_54 = tpu.memref_slice %arg14[%dma_wait3A_52, %dma_wait3A_53] : memref<10240x128xf32, #tpu.memory_space<vmem_shared>> -> memref<400x128xf32, #tpu.memory_space<vmem_shared>>
          tpu.wait_dma2 semaphore(%run_scoped3A : memref<!tpu.dma_semaphore, #tpu.memory_space<semaphore_mem>>) src(%dma_wait3A_54 : memref<400x128xf32, #tpu.memory_space<vmem_shared>>) dst(%dma_wait3A_51 : memref<400x128xf32, #tpu.memory_space<hbm>>)
          tpu.yield
        }) : () -> ()
      } else {
      }
      %barrier3A_23 = arith.constant 0 : index
      tpu.barrier barrier_id(%barrier3A_23)
      %mul3A_24 = arith.constant 640 : i32
      %mul3A_25 = arith.muli %arg1, %mul3A_24 : i32
      "tpu.region"() ({
        %run_scoped3A = tpu.sem_alloc : memref<!tpu.dma_semaphore, #tpu.memory_space<semaphore_mem>>
        %dma_start3A = arith.constant 0 : i32
        %dma_start3A_45 = tpu.memref_slice %arg14[%mul3A_25, %dma_start3A] : memref<10240x128xf32, #tpu.memory_space<vmem_shared>> -> memref<640x128xf32, #tpu.memory_space<vmem_shared>>
        tpu.enqueue_dma source(%arg7 : memref<640x128xf32, #tpu.memory_space<hbm>>) target(%dma_start3A_45 : memref<640x128xf32, #tpu.memory_space<vmem_shared>>) target_semaphore(%run_scoped3A : memref<!tpu.dma_semaphore, #tpu.memory_space<semaphore_mem>>)
        %dma_wait3A = arith.constant 0 : i32
        %dma_wait3A_46 = tpu.memref_slice %arg14[%mul3A_25, %dma_wait3A] : memref<10240x128xf32, #tpu.memory_space<vmem_shared>> -> memref<640x128xf32, #tpu.memory_space<vmem_shared>>
        tpu.wait_dma2 semaphore(%run_scoped3A : memref<!tpu.dma_semaphore, #tpu.memory_space<semaphore_mem>>) src(%arg7 : memref<640x128xf32, #tpu.memory_space<hbm>>) dst(%dma_wait3A_46 : memref<640x128xf32, #tpu.memory_space<vmem_shared>>)
        tpu.yield
      }) : () -> ()
      %barrier3A_26 = arith.constant 0 : index
      tpu.barrier barrier_id(%barrier3A_26)
      %scan3A_27 = arith.constant 0 : i32
      %scan3A_28 = arith.constant 0 : i32
      %scan3A_29 = arith.constant 79 : i32
      %scan3A_30 = arith.addi %scan3A_28, %scan3A_29 : i32
      %scan3A_31 = arith.constant 1 : i32
      scf.for %scan3A_45 = %scan3A_28 to %scan3A_30 step %scan3A_31  : i32 {
        "tpu.region"() ({
          %run_scoped3A_95 = tpu.sem_alloc : memref<!tpu.dma_semaphore, #tpu.memory_space<semaphore_mem>>
          %dma_start3A_96 = arith.constant 0 : i32
          %dma_start3A_97 = arith.constant 0 : i32
          %dma_start3A_98 = tpu.memref_slice %arg6[%arg1, %scan3A_45, %dma_start3A_96, %dma_start3A_97] : memref<16x79x4x128xi32, #tpu.memory_space<hbm>> -> memref<1x1x4x128xi32, #tpu.memory_space<hbm>>
          %dma_start3A_99 = tpu.memref_squeeze %dma_start3A_98 : memref<1x1x4x128xi32, #tpu.memory_space<hbm>> -> memref<4x128xi32, #tpu.memory_space<hbm>>
          %dma_start3A_100 = arith.constant 0 : i32
          %dma_start3A_101 = arith.constant 0 : i32
          %dma_start3A_102 = tpu.memref_slice %arg6[%arg1, %scan3A_45, %dma_start3A_100, %dma_start3A_101] : memref<16x79x4x128xi32, #tpu.memory_space<hbm>> -> memref<1x1x4x128xi32, #tpu.memory_space<hbm>>
          %dma_start3A_103 = tpu.memref_squeeze %dma_start3A_102 : memref<1x1x4x128xi32, #tpu.memory_space<hbm>> -> memref<4x128xi32, #tpu.memory_space<hbm>>
          tpu.enqueue_dma source(%dma_start3A_103 : memref<4x128xi32, #tpu.memory_space<hbm>>) target(%arg12 : memref<4x128xi32, #tpu.memory_space<vmem>>) target_semaphore(%run_scoped3A_95 : memref<!tpu.dma_semaphore, #tpu.memory_space<semaphore_mem>>)
          %dma_wait3A_104 = arith.constant 0 : i32
          %dma_wait3A_105 = arith.constant 0 : i32
          %dma_wait3A_106 = tpu.memref_slice %arg6[%arg1, %scan3A_45, %dma_wait3A_104, %dma_wait3A_105] : memref<16x79x4x128xi32, #tpu.memory_space<hbm>> -> memref<1x1x4x128xi32, #tpu.memory_space<hbm>>
          %dma_wait3A_107 = tpu.memref_squeeze %dma_wait3A_106 : memref<1x1x4x128xi32, #tpu.memory_space<hbm>> -> memref<4x128xi32, #tpu.memory_space<hbm>>
          %dma_wait3A_108 = arith.constant 0 : i32
          %dma_wait3A_109 = arith.constant 0 : i32
          %dma_wait3A_110 = tpu.memref_slice %arg6[%arg1, %scan3A_45, %dma_wait3A_108, %dma_wait3A_109] : memref<16x79x4x128xi32, #tpu.memory_space<hbm>> -> memref<1x1x4x128xi32, #tpu.memory_space<hbm>>
          %dma_wait3A_111 = tpu.memref_squeeze %dma_wait3A_110 : memref<1x1x4x128xi32, #tpu.memory_space<hbm>> -> memref<4x128xi32, #tpu.memory_space<hbm>>
          tpu.wait_dma2 semaphore(%run_scoped3A_95 : memref<!tpu.dma_semaphore, #tpu.memory_space<semaphore_mem>>) src(%dma_wait3A_111 : memref<4x128xi32, #tpu.memory_space<hbm>>) dst(%arg12 : memref<4x128xi32, #tpu.memory_space<vmem>>)
          tpu.yield
        }) : () -> ()
        %dma_start3A = arith.constant 0 : i32
        %dma_start3A_46 = arith.constant 0 : i32
        %dma_start3A_47 = arith.constant 0 : i32
        %dma_start3A_48 = arith.constant 0 : i32
        %dma_start3A_49 = tpu.memref_slice %arg13[%dma_start3A_46, %dma_start3A_47, %dma_start3A_48] : memref<2x128x128xf32, #tpu.memory_space<vmem>> -> memref<1x128x128xf32, #tpu.memory_space<vmem>>
        %dma_start3A_50 = tpu.memref_squeeze %dma_start3A_49 : memref<1x128x128xf32, #tpu.memory_space<vmem>> -> memref<128x128xf32, #tpu.memory_space<vmem>>
        %dma_start3A_51 = arith.constant 0 : i32
        %dma_start3A_52 = tpu.memref_slice %arg12[%dma_start3A, %dma_start3A_51] : memref<4x128xi32, #tpu.memory_space<vmem>> -> memref<1x128xi32, #tpu.memory_space<vmem>>
        %dma_start3A_53 = tpu.memref_squeeze %dma_start3A_52 : memref<1x128xi32, #tpu.memory_space<vmem>> -> memref<128xi32, #tpu.memory_space<vmem>>
        %dma_start3A_54 = arith.constant 0 : i32
        %dma_start3A_55 = arith.constant 0 : i32
        %dma_start3A_56 = tpu.memref_slice %arg5[%dma_start3A_54, %dma_start3A_55] : memref<10000x128xf32, #tpu.memory_space<hbm>> -> memref<10000x128xf32, #tpu.memory_space<hbm>>
        tpu.enqueue_indirect_dma source(%dma_start3A_56 : memref<10000x128xf32, #tpu.memory_space<hbm>>) target(%dma_start3A_50 : memref<128x128xf32, #tpu.memory_space<vmem>>) offsets(%dma_start3A_53 : memref<128xi32, #tpu.memory_space<vmem>>) semaphore(%arg15 : memref<!tpu.dma_semaphore, #tpu.memory_space<semaphore_mem>>)
        %dma_start3A_57 = arith.constant 1 : i32
        %dma_start3A_58 = arith.constant 1 : i32
        %dma_start3A_59 = arith.constant 0 : i32
        %dma_start3A_60 = arith.constant 0 : i32
        %dma_start3A_61 = tpu.memref_slice %arg13[%dma_start3A_58, %dma_start3A_59, %dma_start3A_60] : memref<2x128x128xf32, #tpu.memory_space<vmem>> -> memref<1x128x128xf32, #tpu.memory_space<vmem>>
        %dma_start3A_62 = tpu.memref_squeeze %dma_start3A_61 : memref<1x128x128xf32, #tpu.memory_space<vmem>> -> memref<128x128xf32, #tpu.memory_space<vmem>>
        %dma_start3A_63 = arith.constant 0 : i32
        %dma_start3A_64 = tpu.memref_slice %arg12[%dma_start3A_57, %dma_start3A_63] : memref<4x128xi32, #tpu.memory_space<vmem>> -> memref<1x128xi32, #tpu.memory_space<vmem>>
        %dma_start3A_65 = tpu.memref_squeeze %dma_start3A_64 : memref<1x128xi32, #tpu.memory_space<vmem>> -> memref<128xi32, #tpu.memory_space<vmem>>
        %dma_start3A_66 = arith.constant 0 : i32
        %dma_start3A_67 = arith.constant 0 : i32
        %dma_start3A_68 = tpu.memref_slice %arg5[%dma_start3A_66, %dma_start3A_67] : memref<10000x128xf32, #tpu.memory_space<hbm>> -> memref<10000x128xf32, #tpu.memory_space<hbm>>
        tpu.enqueue_indirect_dma source(%dma_start3A_68 : memref<10000x128xf32, #tpu.memory_space<hbm>>) target(%dma_start3A_62 : memref<128x128xf32, #tpu.memory_space<vmem>>) offsets(%dma_start3A_65 : memref<128xi32, #tpu.memory_space<vmem>>) semaphore(%arg16 : memref<!tpu.dma_semaphore, #tpu.memory_space<semaphore_mem>>)
        %dma_wait3A = arith.constant 0 : i32
        %dma_wait3A_69 = arith.constant 0 : i32
        %dma_wait3A_70 = arith.constant 0 : i32
        %dma_wait3A_71 = arith.constant 0 : i32
        %dma_wait3A_72 = tpu.memref_slice %arg13[%dma_wait3A_69, %dma_wait3A_70, %dma_wait3A_71] : memref<2x128x128xf32, #tpu.memory_space<vmem>> -> memref<1x128x128xf32, #tpu.memory_space<vmem>>
        %dma_wait3A_73 = tpu.memref_squeeze %dma_wait3A_72 : memref<1x128x128xf32, #tpu.memory_space<vmem>> -> memref<128x128xf32, #tpu.memory_space<vmem>>
        %dma_wait3A_74 = arith.constant 0 : i32
        %dma_wait3A_75 = tpu.memref_slice %arg12[%dma_wait3A, %dma_wait3A_74] : memref<4x128xi32, #tpu.memory_space<vmem>> -> memref<1x128xi32, #tpu.memory_space<vmem>>
        %dma_wait3A_76 = tpu.memref_squeeze %dma_wait3A_75 : memref<1x128xi32, #tpu.memory_space<vmem>> -> memref<128xi32, #tpu.memory_space<vmem>>
        %dma_wait3A_77 = arith.constant 0 : i32
        %dma_wait3A_78 = arith.constant 0 : i32
        %dma_wait3A_79 = tpu.memref_slice %arg5[%dma_wait3A_77, %dma_wait3A_78] : memref<10000x128xf32, #tpu.memory_space<hbm>> -> memref<10000x128xf32, #tpu.memory_space<hbm>>
        tpu.wait_indirect_dma semaphore(%arg15 : memref<!tpu.dma_semaphore, #tpu.memory_space<semaphore_mem>>) src(%dma_wait3A_79 : memref<10000x128xf32, #tpu.memory_space<hbm>>) dst(%dma_wait3A_73 : memref<128x128xf32, #tpu.memory_space<vmem>>)
        %run_scoped3A = arith.constant 0 : i32
        %run_scoped3A_80 = arith.constant 2 : i32
        "tpu.region"() ({
          %run_scoped3A_95 = tpu.sem_alloc : memref<!tpu.dma_semaphore, #tpu.memory_space<semaphore_mem>>
          %dma_start3A_96 = arith.constant 0 : i32
          %dma_start3A_97 = arith.constant 0 : i32
          %dma_start3A_98 = tpu.memref_slice %arg13[%run_scoped3A, %dma_start3A_96, %dma_start3A_97] : memref<2x128x128xf32, #tpu.memory_space<vmem>> -> memref<1x128x128xf32, #tpu.memory_space<vmem>>
          %dma_start3A_99 = tpu.memref_squeeze %dma_start3A_98 : memref<1x128x128xf32, #tpu.memory_space<vmem>> -> memref<128x128xf32, #tpu.memory_space<vmem>>
          %dma_start3A_100 = arith.constant 0 : i32
          %dma_start3A_101 = tpu.memref_slice %arg12[%run_scoped3A_80, %dma_start3A_100] : memref<4x128xi32, #tpu.memory_space<vmem>> -> memref<1x128xi32, #tpu.memory_space<vmem>>
          %dma_start3A_102 = tpu.memref_squeeze %dma_start3A_101 : memref<1x128xi32, #tpu.memory_space<vmem>> -> memref<128xi32, #tpu.memory_space<vmem>>
          %dma_start3A_103 = arith.constant 0 : i32
          %dma_start3A_104 = arith.constant 0 : i32
          %dma_start3A_105 = tpu.memref_slice %arg14[%dma_start3A_103, %dma_start3A_104] : memref<10240x128xf32, #tpu.memory_space<vmem_shared>> -> memref<10240x128xf32, #tpu.memory_space<vmem_shared>>
          tpu.enqueue_indirect_dma source(%dma_start3A_99 : memref<128x128xf32, #tpu.memory_space<vmem>>) target(%dma_start3A_105 : memref<10240x128xf32, #tpu.memory_space<vmem_shared>>) offsets(%dma_start3A_102 : memref<128xi32, #tpu.memory_space<vmem>>) semaphore(%run_scoped3A_95 : memref<!tpu.dma_semaphore, #tpu.memory_space<semaphore_mem>>) {add = true}
          %dma_wait3A_106 = arith.constant 0 : i32
          %dma_wait3A_107 = arith.constant 0 : i32
          %dma_wait3A_108 = tpu.memref_slice %arg13[%run_scoped3A, %dma_wait3A_106, %dma_wait3A_107] : memref<2x128x128xf32, #tpu.memory_space<vmem>> -> memref<1x128x128xf32, #tpu.memory_space<vmem>>
          %dma_wait3A_109 = tpu.memref_squeeze %dma_wait3A_108 : memref<1x128x128xf32, #tpu.memory_space<vmem>> -> memref<128x128xf32, #tpu.memory_space<vmem>>
          %dma_wait3A_110 = arith.constant 0 : i32
          %dma_wait3A_111 = tpu.memref_slice %arg12[%run_scoped3A_80, %dma_wait3A_110] : memref<4x128xi32, #tpu.memory_space<vmem>> -> memref<1x128xi32, #tpu.memory_space<vmem>>
          %dma_wait3A_112 = tpu.memref_squeeze %dma_wait3A_111 : memref<1x128xi32, #tpu.memory_space<vmem>> -> memref<128xi32, #tpu.memory_space<vmem>>
          %dma_wait3A_113 = arith.constant 0 : i32
          %dma_wait3A_114 = arith.constant 0 : i32
          %dma_wait3A_115 = tpu.memref_slice %arg14[%dma_wait3A_113, %dma_wait3A_114] : memref<10240x128xf32, #tpu.memory_space<vmem_shared>> -> memref<10240x128xf32, #tpu.memory_space<vmem_shared>>
          tpu.wait_indirect_dma semaphore(%run_scoped3A_95 : memref<!tpu.dma_semaphore, #tpu.memory_space<semaphore_mem>>) src(%dma_wait3A_109 : memref<128x128xf32, #tpu.memory_space<vmem>>) dst(%dma_wait3A_115 : memref<10240x128xf32, #tpu.memory_space<vmem_shared>>)
          tpu.yield
        }) : () -> ()
        %dma_wait3A_81 = arith.constant 1 : i32
        %dma_wait3A_82 = arith.constant 1 : i32
        %dma_wait3A_83 = arith.constant 0 : i32
        %dma_wait3A_84 = arith.constant 0 : i32
        %dma_wait3A_85 = tpu.memref_slice %arg13[%dma_wait3A_82, %dma_wait3A_83, %dma_wait3A_84] : memref<2x128x128xf32, #tpu.memory_space<vmem>> -> memref<1x128x128xf32, #tpu.memory_space<vmem>>
        %dma_wait3A_86 = tpu.memref_squeeze %dma_wait3A_85 : memref<1x128x128xf32, #tpu.memory_space<vmem>> -> memref<128x128xf32, #tpu.memory_space<vmem>>
        %dma_wait3A_87 = arith.constant 0 : i32
        %dma_wait3A_88 = tpu.memref_slice %arg12[%dma_wait3A_81, %dma_wait3A_87] : memref<4x128xi32, #tpu.memory_space<vmem>> -> memref<1x128xi32, #tpu.memory_space<vmem>>
        %dma_wait3A_89 = tpu.memref_squeeze %dma_wait3A_88 : memref<1x128xi32, #tpu.memory_space<vmem>> -> memref<128xi32, #tpu.memory_space<vmem>>
        %dma_wait3A_90 = arith.constant 0 : i32
        %dma_wait3A_91 = arith.constant 0 : i32
        %dma_wait3A_92 = tpu.memref_slice %arg5[%dma_wait3A_90, %dma_wait3A_91] : memref<10000x128xf32, #tpu.memory_space<hbm>> -> memref<10000x128xf32, #tpu.memory_space<hbm>>
        tpu.wait_indirect_dma semaphore(%arg16 : memref<!tpu.dma_semaphore, #tpu.memory_space<semaphore_mem>>) src(%dma_wait3A_92 : memref<10000x128xf32, #tpu.memory_space<hbm>>) dst(%dma_wait3A_86 : memref<128x128xf32, #tpu.memory_space<vmem>>)
        %run_scoped3A_93 = arith.constant 1 : i32
        %run_scoped3A_94 = arith.constant 3 : i32
        "tpu.region"() ({
          %run_scoped3A_95 = tpu.sem_alloc : memref<!tpu.dma_semaphore, #tpu.memory_space<semaphore_mem>>
          %dma_start3A_96 = arith.constant 0 : i32
          %dma_start3A_97 = arith.constant 0 : i32
          %dma_start3A_98 = tpu.memref_slice %arg13[%run_scoped3A_93, %dma_start3A_96, %dma_start3A_97] : memref<2x128x128xf32, #tpu.memory_space<vmem>> -> memref<1x128x128xf32, #tpu.memory_space<vmem>>
          %dma_start3A_99 = tpu.memref_squeeze %dma_start3A_98 : memref<1x128x128xf32, #tpu.memory_space<vmem>> -> memref<128x128xf32, #tpu.memory_space<vmem>>
          %dma_start3A_100 = arith.constant 0 : i32
          %dma_start3A_101 = tpu.memref_slice %arg12[%run_scoped3A_94, %dma_start3A_100] : memref<4x128xi32, #tpu.memory_space<vmem>> -> memref<1x128xi32, #tpu.memory_space<vmem>>
          %dma_start3A_102 = tpu.memref_squeeze %dma_start3A_101 : memref<1x128xi32, #tpu.memory_space<vmem>> -> memref<128xi32, #tpu.memory_space<vmem>>
          %dma_start3A_103 = arith.constant 0 : i32
          %dma_start3A_104 = arith.constant 0 : i32
          %dma_start3A_105 = tpu.memref_slice %arg14[%dma_start3A_103, %dma_start3A_104] : memref<10240x128xf32, #tpu.memory_space<vmem_shared>> -> memref<10240x128xf32, #tpu.memory_space<vmem_shared>>
          tpu.enqueue_indirect_dma source(%dma_start3A_99 : memref<128x128xf32, #tpu.memory_space<vmem>>) target(%dma_start3A_105 : memref<10240x128xf32, #tpu.memory_space<vmem_shared>>) offsets(%dma_start3A_102 : memref<128xi32, #tpu.memory_space<vmem>>) semaphore(%run_scoped3A_95 : memref<!tpu.dma_semaphore, #tpu.memory_space<semaphore_mem>>) {add = true}
          %dma_wait3A_106 = arith.constant 0 : i32
          %dma_wait3A_107 = arith.constant 0 : i32
          %dma_wait3A_108 = tpu.memref_slice %arg13[%run_scoped3A_93, %dma_wait3A_106, %dma_wait3A_107] : memref<2x128x128xf32, #tpu.memory_space<vmem>> -> memref<1x128x128xf32, #tpu.memory_space<vmem>>
          %dma_wait3A_109 = tpu.memref_squeeze %dma_wait3A_108 : memref<1x128x128xf32, #tpu.memory_space<vmem>> -> memref<128x128xf32, #tpu.memory_space<vmem>>
          %dma_wait3A_110 = arith.constant 0 : i32
          %dma_wait3A_111 = tpu.memref_slice %arg12[%run_scoped3A_94, %dma_wait3A_110] : memref<4x128xi32, #tpu.memory_space<vmem>> -> memref<1x128xi32, #tpu.memory_space<vmem>>
          %dma_wait3A_112 = tpu.memref_squeeze %dma_wait3A_111 : memref<1x128xi32, #tpu.memory_space<vmem>> -> memref<128xi32, #tpu.memory_space<vmem>>
          %dma_wait3A_113 = arith.constant 0 : i32
          %dma_wait3A_114 = arith.constant 0 : i32
          %dma_wait3A_115 = tpu.memref_slice %arg14[%dma_wait3A_113, %dma_wait3A_114] : memref<10240x128xf32, #tpu.memory_space<vmem_shared>> -> memref<10240x128xf32, #tpu.memory_space<vmem_shared>>
          tpu.wait_indirect_dma semaphore(%run_scoped3A_95 : memref<!tpu.dma_semaphore, #tpu.memory_space<semaphore_mem>>) src(%dma_wait3A_109 : memref<128x128xf32, #tpu.memory_space<vmem>>) dst(%dma_wait3A_115 : memref<10240x128xf32, #tpu.memory_space<vmem_shared>>)
          tpu.yield
        }) : () -> ()
      }
      %scan3A_32 = arith.constant 79 : i32
      %barrier3A_33 = arith.constant 0 : index
      tpu.barrier barrier_id(%barrier3A_33)
      %lt3A_34 = arith.constant 15 : i32
      %lt3A_35 = arith.cmpi slt, %arg1, %lt3A_34 : i32
      %convert_element_type3A_36 = arith.extui %lt3A_35 : i1 to i32
      %cond3A_37 = arith.constant 0 : i32
      %cond3A_38 = arith.cmpi ne, %convert_element_type3A_36, %cond3A_37 : i32
      scf.if %cond3A_38 {
        %mul3A_45 = arith.constant 640 : i32
        %mul3A_46 = arith.muli %arg1, %mul3A_45 : i32
        "tpu.region"() ({
          %run_scoped3A = tpu.sem_alloc : memref<!tpu.dma_semaphore, #tpu.memory_space<semaphore_mem>>
          %dma_start3A = arith.constant 0 : i32
          %dma_start3A_47 = tpu.memref_slice %arg11[%mul3A_46, %dma_start3A] : memref<10000x128xf32, #tpu.memory_space<hbm>> -> memref<640x128xf32, #tpu.memory_space<hbm>>
          %dma_start3A_48 = arith.constant 0 : i32
          %dma_start3A_49 = tpu.memref_slice %arg14[%mul3A_46, %dma_start3A_48] : memref<10240x128xf32, #tpu.memory_space<vmem_shared>> -> memref<640x128xf32, #tpu.memory_space<vmem_shared>>
          tpu.enqueue_dma source(%dma_start3A_49 : memref<640x128xf32, #tpu.memory_space<vmem_shared>>) target(%dma_start3A_47 : memref<640x128xf32, #tpu.memory_space<hbm>>) target_semaphore(%run_scoped3A : memref<!tpu.dma_semaphore, #tpu.memory_space<semaphore_mem>>)
          %dma_wait3A = arith.constant 0 : i32
          %dma_wait3A_50 = tpu.memref_slice %arg11[%mul3A_46, %dma_wait3A] : memref<10000x128xf32, #tpu.memory_space<hbm>> -> memref<640x128xf32, #tpu.memory_space<hbm>>
          %dma_wait3A_51 = arith.constant 0 : i32
          %dma_wait3A_52 = tpu.memref_slice %arg14[%mul3A_46, %dma_wait3A_51] : memref<10240x128xf32, #tpu.memory_space<vmem_shared>> -> memref<640x128xf32, #tpu.memory_space<vmem_shared>>
          tpu.wait_dma2 semaphore(%run_scoped3A : memref<!tpu.dma_semaphore, #tpu.memory_space<semaphore_mem>>) src(%dma_wait3A_52 : memref<640x128xf32, #tpu.memory_space<vmem_shared>>) dst(%dma_wait3A_50 : memref<640x128xf32, #tpu.memory_space<hbm>>)
          tpu.yield
        }) : () -> ()
      } else {
      }
      %eq3A_39 = arith.constant 15 : i32
      %eq3A_40 = arith.cmpi eq, %arg1, %eq3A_39 : i32
      %convert_element_type3A_41 = arith.extui %eq3A_40 : i1 to i32
      %cond3A_42 = arith.constant 0 : i32
      %cond3A_43 = arith.cmpi ne, %convert_element_type3A_41, %cond3A_42 : i32
      scf.if %cond3A_43 {
        "tpu.region"() ({
          %run_scoped3A = tpu.sem_alloc : memref<!tpu.dma_semaphore, #tpu.memory_space<semaphore_mem>>
          %dma_start3A = arith.constant 9600 : i32
          %dma_start3A_45 = arith.constant 0 : i32
          %dma_start3A_46 = tpu.memref_slice %arg11[%dma_start3A, %dma_start3A_45] : memref<10000x128xf32, #tpu.memory_space<hbm>> -> memref<400x128xf32, #tpu.memory_space<hbm>>
          %dma_start3A_47 = arith.constant 9600 : i32
          %dma_start3A_48 = arith.constant 0 : i32
          %dma_start3A_49 = tpu.memref_slice %arg14[%dma_start3A_47, %dma_start3A_48] : memref<10240x128xf32, #tpu.memory_space<vmem_shared>> -> memref<400x128xf32, #tpu.memory_space<vmem_shared>>
          tpu.enqueue_dma source(%dma_start3A_49 : memref<400x128xf32, #tpu.memory_space<vmem_shared>>) target(%dma_start3A_46 : memref<400x128xf32, #tpu.memory_space<hbm>>) target_semaphore(%run_scoped3A : memref<!tpu.dma_semaphore, #tpu.memory_space<semaphore_mem>>)
          %dma_wait3A = arith.constant 9600 : i32
          %dma_wait3A_50 = arith.constant 0 : i32
          %dma_wait3A_51 = tpu.memref_slice %arg11[%dma_wait3A, %dma_wait3A_50] : memref<10000x128xf32, #tpu.memory_space<hbm>> -> memref<400x128xf32, #tpu.memory_space<hbm>>
          %dma_wait3A_52 = arith.constant 9600 : i32
          %dma_wait3A_53 = arith.constant 0 : i32
          %dma_wait3A_54 = tpu.memref_slice %arg14[%dma_wait3A_52, %dma_wait3A_53] : memref<10240x128xf32, #tpu.memory_space<vmem_shared>> -> memref<400x128xf32, #tpu.memory_space<vmem_shared>>
          tpu.wait_dma2 semaphore(%run_scoped3A : memref<!tpu.dma_semaphore, #tpu.memory_space<semaphore_mem>>) src(%dma_wait3A_54 : memref<400x128xf32, #tpu.memory_space<vmem_shared>>) dst(%dma_wait3A_51 : memref<400x128xf32, #tpu.memory_space<hbm>>)
          tpu.yield
        }) : () -> ()
      } else {
      }
      %barrier3A_44 = arith.constant 0 : index
      tpu.barrier barrier_id(%barrier3A_44)
    } else {
    }
    return
  }
}

module attributes {stable_mosaic.version = 14 : i64} {
  func.func @_mlp_body(%arg0: memref<10000x128xf32, #tpu.memory_space<vmem>>, %arg1: memref<10000x128xf32, #tpu.memory_space<vmem>>, %arg2: memref<10000x128xf32, #tpu.memory_space<vmem>>, %arg3: memref<10000x128xf32, #tpu.memory_space<vmem>>, %arg4: memref<512x128xf32, #tpu.memory_space<vmem>>, %arg5: memref<1x128xf32, #tpu.memory_space<vmem>>, %arg6: memref<128x128xf32, #tpu.memory_space<vmem>>, %arg7: memref<1x128xf32, #tpu.memory_space<vmem>>, %arg8: memref<1x128xf32, #tpu.memory_space<vmem>>, %arg9: memref<1x128xf32, #tpu.memory_space<vmem>>, %arg10: memref<10000x128xf32, #tpu.memory_space<vmem>>) attributes {dimension_semantics = [], scalar_prefetch = 0 : i64, scratch_operands = 0 : i64, tpu.core_type = #tpu.core_type<tc>} {
    %get3A = arith.constant 0 : index
    %get3A_0 = arith.constant 0 : index
    %get3A_1 = vector.load %arg0[%get3A, %get3A_0] : memref<10000x128xf32, #tpu.memory_space<vmem>>, vector<10000x128xf32>
    %get3A_2 = arith.constant 0 : index
    %get3A_3 = arith.constant 0 : index
    %get3A_4 = vector.load %arg4[%get3A_2, %get3A_3] : memref<512x128xf32, #tpu.memory_space<vmem>>, vector<128x128xf32>
    %dot_general3A = arith.constant dense<0.000000e+00> : vector<10000x128xf32>
    %dot_general3A_5 = tpu.matmul %get3A_1, %get3A_4, %dot_general3A {dimension_numbers = #tpu.dot_dimension_numbers<[1], [0], [0], [1], [0, 0, 1, 1], [], []>, transpose_lhs_hint = false} : vector<10000x128xf32>, vector<128x128xf32>, vector<10000x128xf32> -> vector<10000x128xf32>
    %get3A_6 = arith.constant 0 : index
    %get3A_7 = arith.constant 0 : index
    %get3A_8 = vector.load %arg1[%get3A_6, %get3A_7] : memref<10000x128xf32, #tpu.memory_space<vmem>>, vector<10000x128xf32>
    %get3A_9 = arith.constant 128 : index
    %get3A_10 = arith.constant 0 : index
    %get3A_11 = vector.load %arg4[%get3A_9, %get3A_10] : memref<512x128xf32, #tpu.memory_space<vmem>>, vector<128x128xf32>
    %dot_general3A_12 = arith.constant dense<0.000000e+00> : vector<10000x128xf32>
    %dot_general3A_13 = tpu.matmul %get3A_8, %get3A_11, %dot_general3A_12 {dimension_numbers = #tpu.dot_dimension_numbers<[1], [0], [0], [1], [0, 0, 1, 1], [], []>, transpose_lhs_hint = false} : vector<10000x128xf32>, vector<128x128xf32>, vector<10000x128xf32> -> vector<10000x128xf32>
    %add3A = arith.addf %dot_general3A_5, %dot_general3A_13 : vector<10000x128xf32>
    %get3A_14 = arith.constant 0 : index
    %get3A_15 = arith.constant 0 : index
    %get3A_16 = vector.load %arg2[%get3A_14, %get3A_15] : memref<10000x128xf32, #tpu.memory_space<vmem>>, vector<10000x128xf32>
    %get3A_17 = arith.constant 256 : index
    %get3A_18 = arith.constant 0 : index
    %get3A_19 = vector.load %arg4[%get3A_17, %get3A_18] : memref<512x128xf32, #tpu.memory_space<vmem>>, vector<128x128xf32>
    %dot_general3A_20 = arith.constant dense<0.000000e+00> : vector<10000x128xf32>
    %dot_general3A_21 = tpu.matmul %get3A_16, %get3A_19, %dot_general3A_20 {dimension_numbers = #tpu.dot_dimension_numbers<[1], [0], [0], [1], [0, 0, 1, 1], [], []>, transpose_lhs_hint = false} : vector<10000x128xf32>, vector<128x128xf32>, vector<10000x128xf32> -> vector<10000x128xf32>
    %add3A_22 = arith.addf %add3A, %dot_general3A_21 : vector<10000x128xf32>
    %get3A_23 = arith.constant 0 : index
    %get3A_24 = arith.constant 0 : index
    %get3A_25 = vector.load %arg3[%get3A_23, %get3A_24] : memref<10000x128xf32, #tpu.memory_space<vmem>>, vector<10000x128xf32>
    %get3A_26 = arith.constant 384 : index
    %get3A_27 = arith.constant 0 : index
    %get3A_28 = vector.load %arg4[%get3A_26, %get3A_27] : memref<512x128xf32, #tpu.memory_space<vmem>>, vector<128x128xf32>
    %dot_general3A_29 = arith.constant dense<0.000000e+00> : vector<10000x128xf32>
    %dot_general3A_30 = tpu.matmul %get3A_25, %get3A_28, %dot_general3A_29 {dimension_numbers = #tpu.dot_dimension_numbers<[1], [0], [0], [1], [0, 0, 1, 1], [], []>, transpose_lhs_hint = false} : vector<10000x128xf32>, vector<128x128xf32>, vector<10000x128xf32> -> vector<10000x128xf32>
    %add3A_31 = arith.addf %add3A_22, %dot_general3A_30 : vector<10000x128xf32>
    %get3A_32 = arith.constant 0 : index
    %get3A_33 = arith.constant 0 : index
    %get3A_34 = vector.load %arg5[%get3A_32, %get3A_33] : memref<1x128xf32, #tpu.memory_space<vmem>>, vector<1x128xf32>
    %add3A_35 = vector.broadcast %get3A_34 : vector<1x128xf32> to vector<10000x128xf32>
    %add3A_36 = arith.addf %add3A_31, %add3A_35 : vector<10000x128xf32>
    %max3A = arith.constant 0.000000e+00 : f32
    %max3A_37 = vector.broadcast %max3A : f32 to vector<10000x128xf32>
    %max3A_38 = arith.maximumf %add3A_36, %max3A_37 : vector<10000x128xf32>
    %reduce_sum3A = arith.constant dense<0.000000e+00> : vector<128xf32>
    %reduce_sum3A_39 = vector.multi_reduction <add>, %max3A_38, %reduce_sum3A [0] : vector<10000x128xf32> to vector<128xf32>
    %broadcast_in_dim3A = vector.shape_cast %reduce_sum3A_39 : vector<128xf32> to vector<1x128xf32>
    %div3A = arith.constant 1.000000e+04 : f32
    %div3A_40 = vector.broadcast %div3A : f32 to vector<1x128xf32>
    %div3A_41 = arith.divf %broadcast_in_dim3A, %div3A_40 : vector<1x128xf32>
    %sub3A = vector.broadcast %div3A_41 : vector<1x128xf32> to vector<10000x128xf32>
    %sub3A_42 = arith.subf %max3A_38, %sub3A : vector<10000x128xf32>
    %mul3A = arith.mulf %sub3A_42, %sub3A_42 : vector<10000x128xf32>
    %reduce_sum3A_43 = arith.constant dense<0.000000e+00> : vector<128xf32>
    %reduce_sum3A_44 = vector.multi_reduction <add>, %mul3A, %reduce_sum3A_43 [0] : vector<10000x128xf32> to vector<128xf32>
    %broadcast_in_dim3A_45 = vector.shape_cast %reduce_sum3A_44 : vector<128xf32> to vector<1x128xf32>
    %div3A_46 = arith.constant 1.000000e+04 : f32
    %div3A_47 = vector.broadcast %div3A_46 : f32 to vector<1x128xf32>
    %div3A_48 = arith.divf %broadcast_in_dim3A_45, %div3A_47 : vector<1x128xf32>
    %get3A_49 = arith.constant 0 : index
    %get3A_50 = arith.constant 0 : index
    %get3A_51 = vector.load %arg8[%get3A_49, %get3A_50] : memref<1x128xf32, #tpu.memory_space<vmem>>, vector<1x128xf32>
    %add3A_52 = arith.constant 9.99999974E-6 : f32
    %add3A_53 = vector.broadcast %add3A_52 : f32 to vector<1x128xf32>
    %add3A_54 = arith.addf %div3A_48, %add3A_53 : vector<1x128xf32>
    %rsqrt3A = math.rsqrt %add3A_54 : vector<1x128xf32>
    %mul3A_55 = arith.mulf %get3A_51, %rsqrt3A : vector<1x128xf32>
    %mul3A_56 = vector.broadcast %mul3A_55 : vector<1x128xf32> to vector<10000x128xf32>
    %mul3A_57 = arith.mulf %sub3A_42, %mul3A_56 : vector<10000x128xf32>
    %get3A_58 = arith.constant 0 : index
    %get3A_59 = arith.constant 0 : index
    %get3A_60 = vector.load %arg9[%get3A_58, %get3A_59] : memref<1x128xf32, #tpu.memory_space<vmem>>, vector<1x128xf32>
    %add3A_61 = vector.broadcast %get3A_60 : vector<1x128xf32> to vector<10000x128xf32>
    %add3A_62 = arith.addf %mul3A_57, %add3A_61 : vector<10000x128xf32>
    %get3A_63 = arith.constant 0 : index
    %get3A_64 = arith.constant 0 : index
    %get3A_65 = vector.load %arg6[%get3A_63, %get3A_64] : memref<128x128xf32, #tpu.memory_space<vmem>>, vector<128x128xf32>
    %dot_general3A_66 = arith.constant dense<0.000000e+00> : vector<10000x128xf32>
    %dot_general3A_67 = tpu.matmul %add3A_62, %get3A_65, %dot_general3A_66 {dimension_numbers = #tpu.dot_dimension_numbers<[1], [0], [0], [1], [0, 0, 1, 1], [], []>, transpose_lhs_hint = false} : vector<10000x128xf32>, vector<128x128xf32>, vector<10000x128xf32> -> vector<10000x128xf32>
    %get3A_68 = arith.constant 0 : index
    %get3A_69 = arith.constant 0 : index
    %get3A_70 = vector.load %arg7[%get3A_68, %get3A_69] : memref<1x128xf32, #tpu.memory_space<vmem>>, vector<1x128xf32>
    %add3A_71 = vector.broadcast %get3A_70 : vector<1x128xf32> to vector<10000x128xf32>
    %add3A_72 = arith.addf %dot_general3A_67, %add3A_71 : vector<10000x128xf32>
    %swap3A = arith.constant 0 : index
    %swap3A_73 = arith.constant 0 : index
    %swap3A_74 = vector.load %arg10[%swap3A, %swap3A_73] : memref<10000x128xf32, #tpu.memory_space<vmem>>, vector<10000x128xf32>
    tpu.vector_store %arg10[%swap3A, %swap3A_73], %add3A_72 {strides = array<i32>} : memref<10000x128xf32, #tpu.memory_space<vmem>>, vector<10000x128xf32>,
    return
  }
}

</mosaic_0001>

<sc_bundles>
// kernel: kernel.4.cloned.1.call-start
scs
__scs_entry_jumppad:
0x0: {  	(pc) =	sbr.rel $0x88, $3  }
0x1: {  	(tag) =	ssettag $0x0;
	lr =	simm.s32 $0x1  }
0x2: {  	[smem:$0x3F96] =	sst lr;
	_ =	strace $0xD0000000  }
0x3: {  	_ = 	snop  }
0x4: {  	_ = 	snop  }
0x5: {  	_ = 	snop  }
0x6: {  	_ = 	snop  }
0x7: {  	_ = 	snop  }
__scs_overlays_trampoline_lowered:
0x8: {  	[smem:$0x3FA5] =	sst s0  }
0x9: {  	[smem:$0x3FA6] =	sst s1  }
0xa: {  	[smem:$0x3FA7] =	sst s2  }
0xb: {  	[smem:$0x3FA8] =	sst s3  }
0xc: {  	[smem:$0x3FA9] =	sst s4  }
0xd: {  	[smem:$0x3FAA] =	sst s5  }
0xe: {  	[smem:$0x3FAB] =	sst s6  }
0xf: {  	[smem:$0x3FAC] =	sst s7  }
0x10: {  	[smem:$0x3FAD] =	sst s8  }
0x11: {  	[smem:$0x3FAE] =	sst s9;
	s0 =	simm.s32 @!p0 $0x0  }
0x12: {  	s1 =	sld [smem:$0x3F94];
	s0 =	simm.s32 @p0 $0x1  }
0x13: {  	[smem:$0x3FAF] =	sst s0;
	s0 =	simm.s32 @!p1 $0x0  }
0x14: {  	s2 =	sld [smem:$0x3F93];
	s0 =	simm.s32 @p1 $0x1  }
0x15: {  	[smem:$0x3FB0] =	sst s0;
	s0 =	simm.s32 @!p2 $0x0  }
0x16: {  	s3 =	sld [smem:$0x3FDB];
	s0 =	simm.s32 @p2 $0x1  }
0x17: {  	s4 =	simm.s32 $0x1BF5;
	[smem:$0x3FB2] =	sst s0  }
0x18: {  	s0 =	sld [smem:$0x3F95];
	_ =	swait.ge [sflag:s4], $0x0  }
0x19: {  	s7 =	sld [smem:$0x3F96]  }
0x1a: {  	s8 =	sadd.s32 $0xFFFFE003, lr  }
0x1b: {  	s9 =	sadd.s32 $0xFFFFFEF7, lr;
	s5 =	simm.s32 $0xFFFFFFFF;
	p2 =	slt.u32 s8, $0xFFFFF086  }
0x1c: {  	p1 =	slt.u32 s9, $0xF7A;
	s5 =	simm.s32 @!p2 $0x0  }
0x1d: {  	s5 =	simm.s32 @p1 $0x1;
	p0 =	seq.s32 s7, s2  }
0x1e: {  	s7 =	smul.u32 @!p0 $0xF7A, s2;
	p2 =	seq.s32 @!p0 s5, $0x0  }
0x1f: {  	s9 =	smul.u32 $0xF7A, s1;
	s8 =	simm.s32 @!p0 $0x1BF5;
	p2 =	por !p2, p0  }
0x20: {  	[sflag:s8] =	ssyncset.s32 @!p0 $0xFFFFF086;
	s6 =	sadd.s32 @!p0 s3, s7;
	s7 =	simm.s32 @!p0 $0x108  }
0x21: {  	s3 =	sadd.s32 s3, s9;
	s6 =	sadd.s32 @!p0 $0x88, s6;
	s7 =	simm.s32 @p2 $0x1082  }
0x22: {  	[simem:s7], [sflag:s8] =	dma.local @!p0 [hbm:s6], $0xF7A  }
0x23: {  	s9 =	sor.u32 $0xD0000000, s2;
	s6 =	simm.s32 $0x108;
	_ =	swait.ge @!p0 [sflag:s8], $0x0  }
0x24: {  	s3 =	sadd.s32 $0x88, s3;
	s6 =	simm.s32 @!p1 $0x1082;
	[sflag:s4] =	ssyncset.s32 $0xFFFFF086  }
0x25: {  	[simem:s6], [sflag:s4] =	dma.local [hbm:s3], $0xF7A  }
0x26: {  	[smem:$0x3F96] =	sst s1;
	(tag) =	ssettag s2;
	_ =	strace s9  }
0x27: {  	s1 =	sld [smem:$0x3FA6]  }
0x28: {  	s2 =	sld [smem:$0x3FA7]  }
0x29: {  	s4 =	sld [smem:$0x3FA9]  }
0x2a: {  	p0 =	seq.s32 s5, $0x0;
	s5 =	sld [smem:$0x3FAA]  }
0x2b: {  	s6 =	sld [smem:$0x3FAB]  }
0x2c: {  	s7 =	sld [smem:$0x3FAC]  }
0x2d: {  	s3 =	simm.s32 $0x108;
	s8 =	sld [smem:$0x3FAD]  }
0x2e: {  	s3 =	simm.s32 @!p0 $0x1082;
	s9 =	sld [smem:$0x3FAE]  }
0x2f: {  	lr =	sadd.s32 s0, s3;
	s0 =	sld [smem:$0x3FA5]  }
0x30: {  	s3 =	sld [smem:$0x3FA8]  }
0x31: {  	[smem:$0x3FB1] =	sst s10  }
0x32: {  	s10 =	sld [smem:$0x3FAF];
	_ =	sdelay $0x3  }
0x33: {  	p0 =	seq.s32 s10, $0x1;
	s10 =	sld [smem:$0x3FB1];
	_ =	sdelay $0x3  }
0x34: {  	[smem:$0x3FB1] =	sst s10  }
0x35: {  	s10 =	sld [smem:$0x3FB0];
	_ =	sdelay $0x3  }
0x36: {  	p1 =	seq.s32 s10, $0x1;
	s10 =	sld [smem:$0x3FB1];
	_ =	sdelay $0x3  }
0x37: {  	[smem:$0x3FB1] =	sst s10  }
0x38: {  	s10 =	sld [smem:$0x3FB2]  }
0x39: {  	_ = 	snop;
	(pc) =	sbr.ind lr, $3  }
0x3a: {  	_ = 	snop  }
0x3b: {  	_ = 	snop  }
0x3c: {  	p2 =	seq.s32 s10, $0x1;
	s10 =	sld [smem:$0x3FB1]  }
0x3d: {  	_ =	shalt  }
0x3e: {  	_ =	shalt  }
0x3f: {  	_ =	shalt  }
0x40: {  	_ =	shalt  }
0x41: {  	_ =	shalt  }
0x42: {  	_ =	shalt  }
0x43: {  	_ =	shalt  }
0x44: {  	_ =	shalt  }
0x45: {  	_ =	shalt  }
0x46: {  	_ =	shalt  }
0x47: {  	_ =	shalt  }
0x48: {  	_ =	shalt  }
0x49: {  	_ =	shalt  }
0x4a: {  	_ =	shalt  }
0x4b: {  	_ =	shalt  }
0x4c: {  	_ =	shalt  }
0x4d: {  	_ =	shalt  }
0x4e: {  	_ =	shalt  }
0x4f: {  	_ =	shalt  }
0x50: {  	_ =	shalt  }
0x51: {  	_ =	shalt  }
0x52: {  	_ =	shalt  }
0x53: {  	_ =	shalt  }
0x54: {  	_ =	shalt  }
0x55: {  	_ =	shalt  }
0x56: {  	_ =	shalt  }
0x57: {  	_ =	shalt  }
0x58: {  	_ =	shalt  }
0x59: {  	_ =	shalt  }
0x5a: {  	_ =	shalt  }
0x5b: {  	_ =	shalt  }
0x5c: {  	_ =	shalt  }
0x5d: {  	_ =	shalt  }
0x5e: {  	_ =	shalt  }
0x5f: {  	_ =	shalt  }
0x60: {  	_ =	shalt  }
0x61: {  	_ =	shalt  }
0x62: {  	_ =	shalt  }
0x63: {  	_ =	shalt  }
0x64: {  	_ =	shalt  }
0x65: {  	_ =	shalt  }
0x66: {  	_ =	shalt  }
0x67: {  	_ =	shalt  }
0x68: {  	_ =	shalt  }
0x69: {  	_ =	shalt  }
0x6a: {  	_ =	shalt  }
0x6b: {  	_ =	shalt  }
0x6c: {  	_ =	shalt  }
0x6d: {  	_ =	shalt  }
0x6e: {  	_ =	shalt  }
0x6f: {  	_ =	shalt  }
0x70: {  	_ =	shalt  }
0x71: {  	_ =	shalt  }
0x72: {  	_ =	shalt  }
0x73: {  	_ =	shalt  }
0x74: {  	_ =	shalt  }
0x75: {  	_ =	shalt  }
0x76: {  	_ =	shalt  }
0x77: {  	_ =	shalt  }
0x78: {  	_ =	shalt  }
0x79: {  	_ =	shalt  }
0x7a: {  	_ =	shalt  }
0x7b: {  	_ =	shalt  }
0x7c: {  	_ =	shalt  }
0x7d: {  	_ =	shalt  }
0x7e: {  	_ =	shalt  }
0x7f: {  	_ =	shalt  }
0x80: {  	_ =	shalt  }
0x81: {  	_ =	shalt  }
0x82: {  	_ =	shalt  }
0x83: {  	_ =	shalt  }
0x84: {  	_ =	shalt  }
0x85: {  	_ =	shalt  }
0x86: {  	_ =	shalt  }
0x87: {  	_ =	shalt  }
.Lfunc_end0:
.L_simem_size_0:
called_computation_lowered:
.L_overlay_start_0:
0x88: {  	s2 =	sld [smem:$0x3FD9]  }
0x89: {  	s3 =	sld [smem:$0x3FFE];
	_ =	sdelay $0x1  }
0x8a: {  	s1 =	srdreg.scid  }
0x8b: {  	s0 =	sand.u32 $0x1, s1  }
0x8c: {  	s14 =	sshll.u32 s0, $0xA;
	s2 =	sadd.s32 s3, s2  }
0x8d: {  	s2 =	sadd.s32 s2, s14  }
0x8e: {  	[smem:$0x3FBD] =	sst s2  }
0x8f: {  	_ = 	snop  }
0x90: {  	s2 =	sld [smem:$0x3FC9]  }
0x91: {  	s15 =	sld [smem:$0x3FD0]  }
0x92: {  	s4 =	sld [smem:$0x3FC8]  }
0x93: {  	s5 =	sld [smem:$0x3FC7]  }
0x94: {  	s7 =	simm.s32 $0xA;
	s8 =	simm.s32 $0x10;
	s6 =	sld [smem:$0x3FC6]  }
0x95: {  	[smem:s8], [sflag:s7] =	dma.local [hbm:s15], $0x1  }
0x96: {  	_ =	swait.eq [sflag:s7], $0x1  }
0x97: {  	s16 =	sld [smem:$0x10]  }
0x98: {  	s17 =	sld [smem:$0x11];
	[sflag:s7] =	ssyncset.done $0x0  }
0x99: {  	s9 =	sld [smem:$0x12];
	[sflag:s7] =	ssyncadd.s32 $0xFFFFFFFF  }
0x9a: {  	s18 =	sld [smem:$0x13];
	(tm) =	ssettm $0x1  }
0x9b: {  	s10 =	sld [smem:$0x3FFB];
	_ =	sdelay $0x3  }
0x9c: {  	_ =	strace s10  }
0x9d: {  	s10 =	sld [smem:$0x3FFC];
	_ =	sdelay $0x3  }
0x9e: {  	_ =	strace s10  }
0x9f: {  	s10 =	sld [smem:$0x3FFD];
	_ =	sdelay $0x3  }
0xa0: {  	_ =	strace s10  }
0xa1: {  	_ =	strace $0x8FFFFFFF  }
0xa2: {  	s19 =	sld [smem:$0x3FDB];
	_ =	sdelay $0x1  }
0xa3: {  	s11 =	simm.s32 $_scs_section_size  }
0xa4: {  	s12 =	simm.s32 $_size__tile_overlayer_lowered;
	s13 =	simm.s32 $_tile_overlayer_lowered  }
0xa5: {  	s22 =	simm.s32 $0x1BFF;
	s21 =	sshll.u32 s13, $0x1;
	s10 =	sadd.s32 s11, s19  }
0xa6: {  	s20 =	sshll.u32 s12, $0x1;
	s14 =	simm.s32 $0x0;
	s12 =	sadd.s32 s21, s10  }
0xa7: {  	[timem:s14], [sflag:s22] =	dma.local [hbm:s12], s20  }
0xa8: {  	_ =	swait.ge [sflag:s22], s20  }
0xa9: {  	s11 =	ssub.s32 $0x0, s20;
	[sflag:s22] =	ssyncset.done $0x0  }
0xaa: {  	[sflag:s22] =	ssyncadd.s32 s11;
	_ =	sdelay $0x1  }
0xab: {  	s23 =	simm.s32 $0x1B8B  }
0xac: {  	_ =	swait.ge [sflag:s23], $0x1  }
0xad: {  	[sflag:s23] =	ssyncset.done $0x0  }
0xae: {  	s25 =	simm.s32 $0x1B8E;
	s24 =	sld [smem:$0x3FFE];
	[sflag:s23] =	ssyncadd.s32 $0xFFFFFFFF  }
0xaf: {  	s26 =	simm.s32 $execute0_lowered;
	[smem:$0x3FD2] =	sst s25  }
0xb0: {  	s12 =	sshll.u32 s26, $0x1;
	_ =	strace $0x80000046;
	[dreg:$0x1] =	wrdreg $0xFFFFFFFF  }
0xb1: {  	s28 =	simm.s32 $_size_execute0_lowered;
	s10 =	sadd.s32 s10, s12;
	[dreg:$0x0] =	wrdreg $0x0  }
0xb2: {  	s12 =	sshll.u32 s28, $0x1;
	[dreg:$0x2] =	wrdreg s10  }
0xb3: {  	[dreg:$0x3] =	wrdreg s12  }
0xb4: {  	[dreg:$0x4] =	wrdreg $0xC0  }
0xb5: {  	_ =	task [dreg:s14], $0x5FFFF  }
0xb6: {  	[dreg:$0x1] =	wrdreg $0xFFFFFFFF  }
0xb7: {  	[dreg:$0x0] =	wrdreg $0x60  }
0xb8: {  	[dreg:$0x2] =	wrdreg s2  }
0xb9: {  	[dreg:$0x3] =	wrdreg s4  }
0xba: {  	[dreg:$0x4] =	wrdreg s5  }
0xbb: {  	[dreg:$0x5] =	wrdreg s6  }
0xbc: {  	[dreg:$0x6] =	wrdreg s24  }
0xbd: {  	[dreg:$0x7] =	wrdreg s16  }
0xbe: {  	[dreg:$0x8] =	wrdreg s17  }
0xbf: {  	[dreg:$0x9] =	wrdreg s9  }
0xc0: {  	[dreg:$0xa] =	wrdreg s18  }
0xc1: {  	[dreg:$0xb] =	wrdreg $0x82000  }
0xc2: {  	[dreg:$0xc] =	wrdreg $0x9  }
0xc3: {  	_ =	task.clear_ibuf [dreg:s14], $0xDFFFF;
	_ =	strace $0x90000046  }
0xc4: {  	s29 =	simm.s32 $0x9;
	_ =	strace $0x80000048  }
0xc5: {  	_ =	swait.ge [sflag:s29], $0x1  }
0xc6: {  	[sflag:s29] =	ssyncadd.s32 $0xFFFFFFFF  }
0xc7: {  	_ =	strace $0x90000048  }
0xc8: {  	_ =	sfence  }
0xc9: {  	s30 =	sld [smem:$0x0];
	_ =	sdelay $0x2  }
0xca: {  	s31 =	sshll.u32 s1, $0xD;
	s1 =	sshrl.u32 s1, $0x2  }
0xcb: {  	s3 =	sand.u32 $0x4000, s31;
	s1 =	sadd.s32 s1, s30  }
0xcc: {  	s0 =	sor.u32 s3, s0;
	s1 =	sshll.u32 s1, $0x11  }
0xcd: {  	s0 =	sor.u32 s1, s0  }
0xce: {  	s0 =	sadd.s32 $0x8F2B, s0  }
0xcf: {  	[sflag:s0] =	ssyncadd.remote.s32 $0x1  }
0xd0: {  	_ =	sfence.sel $0xFFFF  }
0xd1: {  	[dreg:$0x0] =	wrdreg $0xFFFFFFFF;
	(pc) =	sbr.abs _section_cstart, $3  }
0xd2: {  	[dreg:$0x1] =	wrdreg $0xFFFFFFFF  }
0xd3: {  	_ =	task.clear_ibuf [dreg:s14], $0x2FFFF;
	_ =	strace $0x9FFFFFFF  }
0xd4: {  	(tm) =	ssettm $0x7FFFFFFF  }
0xd5: {  	_ =	shalt  }
tec
execute0_lowered:
.L_overlay_start_1:
0x0: {  	(tag) =	ssettag $0x1  }
0x1: {  	s0 =	rddreg [dreg:$0x0]  }
0x2: {  	s1 =	rddreg [dreg:$0x1]  }
0x3: {  	s2 =	rddreg [dreg:$0x2]  }
0x4: {  	s3 =	rddreg [dreg:$0x3]  }
0x5: {  	s4 =	rddreg [dreg:$0x4]  }
0x6: {  	s5 =	rddreg [dreg:$0x5]  }
0x7: {  	s10 =	rddreg [dreg:$0x6]  }
0x8: {  	s12 =	rddreg [dreg:$0x7]  }
0x9: {  	s13 =	rddreg [dreg:$0x8]  }
0xa: {  	s6 =	rddreg [dreg:$0x9];
	s7 =	simm.s32 $0x0;
	s15 =	stileid.u32  }
0xb: {  	s9 =	srdreg.scid;
	s28 =	simm.s32 $0x1;
	s29 =	simm.s32 $0x100  }
0xc: {  	s30 =	simm.s32 $0x2;
	s31 =	simm.s32 $0x180;
	s8 =	smul.u32 $0x13C0, s15  }
0xd: {  	[smem:$0x7FF] =	sst s7;
	s9 =	sand.u32 $0x1, s9;
	s11 =	smul.u32 $0x50000, s15  }
0xe: {  	s17 =	smul.u32 $0x2800, s15;
	s24 =	sadd.s32 $0x25800, s10;
	s16 =	sadd.s32 $0x25800, s12  }
0xf: {  	s26 =	sshll.u32 s15, $0x6;
	s18 =	sadd.s32 $0x25800, s13;
	p1 =	seq.s32 s15, $0xF  }
0x10: {  	_ =	strace $0x80000047;
	s20 =	ssub.s32 $0x2, s9;
	p0 =	seq.s32 s9, $0x1  }
0x11: {  	[dreg:$0xe] =	wrdreg s24;
	s24 =	simm.s32 $0x80;
	s21 =	sadd.s32 s8, s4  }
0x12: {  	s8 =	sadd.s32 $0x15000, s4;
	s14 =	sshrl.u32 s20, $0x1;
	s11 =	sshrl.u32 s11, $0x2  }
0x13: {  	s22 =	sadd.s32 s5, s17;
	s5 =	sadd.s32 $0x25800, s5;
	s23 =	sadd.s32 s10, s17  }
0x14: {  	s25 =	sadd.s32 s12, s17;
	s17 =	sadd.s32 s13, s17;
	[dreg:$0xb] =	wrdreg s22  }
.Ltmp0:
0x15: {  	s4 =	ssub.s32 s20, s14;
	[dreg:$0xc] =	wrdreg s5;
	(pc) =	sbr.rel .LBB2_1-.Ltmp0, $4  }
0x16: {  	s9 =	sadd.s32 s11, s6;
	s11 =	sadd.s32 $0x12C000, s6;
	[dreg:$0xd] =	wrdreg s23  }
0x17: {  	[dreg:$0xf] =	wrdreg s25;
	s20 =	sor.u32 $0x1C03, s26;
	s21 =	sadd.s32 $0x1400, s21  }
0x18: {  	s23 =	simm.s32 $0x3;
	s25 =	simm.s32 $0x200;
	s26 =	simm.s32 $0x4200  }
0x19: {  	s19 =	smax.u32 s4, $0x1;
	s22 =	sshrl.u32 s9, $0x3;
	s4 =	simm.s32 $0x0  }
.LBB2_11:
0x1a: {  	s12 =	sadd.s32 s12, s21;
	[sflag:s23] =	ssyncadd.s32 $0xFFFFC000  }
0x1b: {  	[tilespmem:s7], [sflag:$0x3] =	stream.linear.gather [hbm4b:s12+s7], $0x200, $0x38;
	[tilespmem:$0x1C200] =	vst v63  }
0x1c: {  	_ =	swait.ge [sflag:s23], $0x200  }
0x1d: {  	[sflag:s23] =	ssyncset.done $0x0  }
0x1e: {  	[sflag:s23] =	ssyncadd.s32 $0xFFFFFE00  }
0x1f: {  	[tilespmem:s25], [sflag:$0x1] =	stream.indirect.gather [hbm4b:s3+s24], $0x80, s7, s24, $0xb8;
	[tilespmem:$0x1C200] =	vst v63  }
0x20: {  	_ = 	snop  }
0x21: {  	[tilespmem:s26], [sflag:$0x2] =	stream.indirect.gather [hbm4b:s3+s24], $0x80, s24, s24, $0xb8;
	[tilespmem:$0x1C200] =	vst v63  }
0x22: {  	_ =	swait.ge [sflag:s28], $0x4000  }
0x23: {  	[sflag:s28] =	ssyncset.done $0x0  }
0x24: {  	[sflag:s28] =	ssyncadd.s32 $0xFFFFC000  }
0x25: {  	[spmem:s6] =	stream.indirect.scatter.add.f32 [tilespmem:s25], [sflag:$0x3], $0x80, s29, s24, $0xb8;
	[tilespmem:$0x1C200] =	vst v63  }
0x26: {  	_ =	swait.ge [sflag:s23], $0x4000  }
0x27: {  	[sflag:s23] =	ssyncset.done $0x0  }
0x28: {  	[sflag:s23] =	ssyncadd.s32 $0xFFFFC000  }
0x29: {  	_ =	swait.ge [sflag:s30], $0x4000  }
0x2a: {  	[sflag:s30] =	ssyncset.done $0x0  }
0x2b: {  	[sflag:s30] =	ssyncadd.s32 $0xFFFFC000  }
0x2c: {  	[spmem:s6] =	stream.indirect.scatter.add.f32 [tilespmem:s26], [sflag:$0x3], $0x80, s31, s24, $0xb8;
	[tilespmem:$0x1C200] =	vst v63  }
0x2d: {  	_ =	swait.ge [sflag:s23], $0x4000  }
0x2e: {  	[sflag:s23] =	ssyncset.done $0x0  }
0x2f: {  	[sflag:s23] =	ssyncadd.s32 $0xFFFFC000  }
0x30: {  	[bflag:$0x0] =	sbarrier.arrive $0xFFFF  }
0x31: {  	[hbm:s18], [sflag:s20] =	dma.local @p1 [spmem:s10], $0x1900  }
0x32: {  	s10 =	simm.s32 @p1 $0x3  }
0x33: {  	_ =	swait.ge @p1 [sflag:s10], $0x1900  }
0x34: {  	[sflag:s10] =	ssyncset.done @p1 $0x0  }
0x35: {  	[sflag:s10] =	ssyncadd.s32 @p1 $0xFFFFE700  }
0x36: {  	[hbm:s17], [sflag:s20] =	dma.local @!p1 [spmem:s5], $0x2800  }
0x37: {  	s5 =	simm.s32 @!p1 $0x3  }
0x38: {  	_ =	swait.ge @!p1 [sflag:s5], $0x2800  }
0x39: {  	[sflag:s5] =	ssyncset.done @!p1 $0x0  }
0x3a: {  	[sflag:s5] =	ssyncadd.s32 @!p1 $0xFFFFD800  }
.LBB2_12:
0x3b: {  	s4 =	sadd.s32 $0x1, s4  }
0x3c: {  	p2 =	sne.s32 s4, s19  }
.Ltmp1:
0x3d: {  	_ = 	snop;
	(pc) =	sbr.rel @!p2 .LBB2_13-.Ltmp1, $2  }
0x3e: {  	_ =	sdelay $0x1  }
0x3f: {  	[bflag:$0x0] =	sbarrier.arrive $0xFFFF;
	_ =	sdelay $0x1  }
.LBB2_1:
0x40: {  	[spmem:s22], [sflag:s20] =	dma.local [hbm:s8], $0x2800  }
.Ltmp2:
0x41: {  	_ =	swait.ge [sflag:s23], $0x2800;
	(pc) =	sbr.rel @!p0 .LBB2_2-.Ltmp2, $4  }
0x42: {  	[sflag:s23] =	ssyncset.done $0x0  }
0x43: {  	[sflag:s23] =	ssyncadd.s32 $0xFFFFD800  }
0x44: {  	[bflag:$0x0] =	sbarrier.arrive $0xFFFF  }
0x45: {  	s10 =	sshrl.u32 @p1 s11, $0x3;
	s5 =	sshrl.u32 @!p1 s9, $0x3;
	s12 =	sadd.s32 $0x0, s21  }
0x46: {  	[tilespmem:s7], [sflag:$0x3] =	stream.linear.gather [hbm4b:s12+s7], $0x200, $0x38;
	[tilespmem:$0x1C200] =	vst v63  }
0x47: {  	_ =	swait.ge [sflag:s23], $0x200  }
0x48: {  	[sflag:s23] =	ssyncset.done $0x0  }
0x49: {  	[sflag:s23] =	ssyncadd.s32 $0xFFFFFE00  }
0x4a: {  	[tilespmem:s25], [sflag:$0x1] =	stream.indirect.gather [hbm4b:s2+s24], $0x80, s7, s24, $0xb8;
	[tilespmem:$0x1C200] =	vst v63  }
0x4b: {  	_ = 	snop  }
0x4c: {  	[tilespmem:s26], [sflag:$0x2] =	stream.indirect.gather [hbm4b:s2+s24], $0x80, s24, s24, $0xb8;
	[tilespmem:$0x1C200] =	vst v63  }
0x4d: {  	_ =	swait.ge [sflag:s28], $0x4000  }
0x4e: {  	[sflag:s28] =	ssyncset.done $0x0  }
0x4f: {  	[sflag:s28] =	ssyncadd.s32 $0xFFFFC000  }
0x50: {  	[spmem:s6] =	stream.indirect.scatter.add.f32 [tilespmem:s25], [sflag:$0x3], $0x80, s29, s24, $0xb8;
	[tilespmem:$0x1C200] =	vst v63  }
0x51: {  	_ =	swait.ge [sflag:s23], $0x4000  }
0x52: {  	[sflag:s23] =	ssyncset.done $0x0  }
0x53: {  	[sflag:s23] =	ssyncadd.s32 $0xFFFFC000  }
0x54: {  	_ =	swait.ge [sflag:s30], $0x4000  }
0x55: {  	[sflag:s30] =	ssyncset.done $0x0  }
0x56: {  	[sflag:s30] =	ssyncadd.s32 $0xFFFFC000  }
0x57: {  	[spmem:s6] =	stream.indirect.scatter.add.f32 [tilespmem:s26], [sflag:$0x3], $0x80, s31, s24, $0xb8;
	[tilespmem:$0x1C200] =	vst v63  }
0x58: {  	_ =	swait.ge [sflag:s23], $0x4000  }
0x59: {  	s12 =	simm.s32 $0x40;
	s13 =	simm.s32 $0x80;
	[sflag:s23] =	ssyncset.done $0x0  }
.LBB2_8:
0x5a: {  	s14 =	sadd.s32 s12, s21  }
0x5b: {  	[sflag:s23] =	ssyncadd.s32 $0xFFFFC000;
	s12 =	smov.u32 s13;
	s15 =	sadd.s32 $0x40, s13  }
0x5c: {  	[tilespmem:s7], [sflag:$0x3] =	stream.linear.gather [hbm4b:s14+s7], $0x200, $0x38;
	[tilespmem:$0x1C200] =	vst v63  }
0x5d: {  	p2 =	sne.s32 s13, $0x1380;
	_ =	swait.ge [sflag:s23], $0x200  }
0x5e: {  	[sflag:s23] =	ssyncset.done $0x0  }
0x5f: {  	[sflag:s23] =	ssyncadd.s32 $0xFFFFFE00  }
0x60: {  	[tilespmem:s25], [sflag:$0x1] =	stream.indirect.gather [hbm4b:s2+s24], $0x80, s7, s24, $0xb8;
	[tilespmem:$0x1C200] =	vst v63  }
0x61: {  	_ = 	snop  }
0x62: {  	[tilespmem:s26], [sflag:$0x2] =	stream.indirect.gather [hbm4b:s2+s24], $0x80, s24, s24, $0xb8;
	[tilespmem:$0x1C200] =	vst v63  }
0x63: {  	_ =	swait.ge [sflag:s28], $0x4000  }
0x64: {  	[sflag:s28] =	ssyncset.done $0x0  }
0x65: {  	[sflag:s28] =	ssyncadd.s32 $0xFFFFC000  }
0x66: {  	[spmem:s6] =	stream.indirect.scatter.add.f32 [tilespmem:s25], [sflag:$0x3], $0x80, s29, s24, $0xb8;
	[tilespmem:$0x1C200] =	vst v63  }
0x67: {  	_ =	swait.ge [sflag:s23], $0x4000  }
0x68: {  	[sflag:s23] =	ssyncset.done $0x0  }
0x69: {  	[sflag:s23] =	ssyncadd.s32 $0xFFFFC000  }
0x6a: {  	_ =	swait.ge [sflag:s30], $0x4000  }
.Ltmp3:
0x6b: {  	[sflag:s30] =	ssyncset.done $0x0;
	(pc) =	sbr.rel @p2 .LBB2_8-.Ltmp3, $4  }
0x6c: {  	[sflag:s30] =	ssyncadd.s32 $0xFFFFC000  }
0x6d: {  	[spmem:s6] =	stream.indirect.scatter.add.f32 [tilespmem:s26], [sflag:$0x3], $0x80, s31, s24, $0xb8;
	[tilespmem:$0x1C200] =	vst v63  }
0x6e: {  	_ =	swait.ge [sflag:s23], $0x4000  }
0x6f: {  	s13 =	smov.u32 s15;
	[sflag:s23] =	ssyncset.done $0x0  }
0x70: {  	s12 =	sadd.s32 s12, s21;
	[sflag:s23] =	ssyncadd.s32 $0xFFFFC000  }
0x71: {  	[tilespmem:s7], [sflag:$0x3] =	stream.linear.gather [hbm4b:s12+s7], $0x200, $0x38;
	[tilespmem:$0x1C200] =	vst v63  }
0x72: {  	_ =	swait.ge [sflag:s23], $0x200  }
0x73: {  	[sflag:s23] =	ssyncset.done $0x0  }
0x74: {  	[sflag:s23] =	ssyncadd.s32 $0xFFFFFE00  }
0x75: {  	[tilespmem:s25], [sflag:$0x1] =	stream.indirect.gather [hbm4b:s2+s24], $0x80, s7, s24, $0xb8;
	[tilespmem:$0x1C200] =	vst v63  }
0x76: {  	_ = 	snop  }
0x77: {  	[tilespmem:s26], [sflag:$0x2] =	stream.indirect.gather [hbm4b:s2+s24], $0x80, s24, s24, $0xb8;
	[tilespmem:$0x1C200] =	vst v63  }
0x78: {  	_ =	swait.ge [sflag:s28], $0x4000  }
0x79: {  	[sflag:s28] =	ssyncset.done $0x0  }
0x7a: {  	[sflag:s28] =	ssyncadd.s32 $0xFFFFC000  }
0x7b: {  	[spmem:s6] =	stream.indirect.scatter.add.f32 [tilespmem:s25], [sflag:$0x3], $0x80, s29, s24, $0xb8;
	[tilespmem:$0x1C200] =	vst v63  }
0x7c: {  	_ =	swait.ge [sflag:s23], $0x4000  }
0x7d: {  	[sflag:s23] =	ssyncset.done $0x0  }
0x7e: {  	[sflag:s23] =	ssyncadd.s32 $0xFFFFC000  }
0x7f: {  	_ =	swait.ge [sflag:s30], $0x4000  }
0x80: {  	[sflag:s30] =	ssyncset.done $0x0  }
0x81: {  	[sflag:s30] =	ssyncadd.s32 $0xFFFFC000  }
0x82: {  	[spmem:s6] =	stream.indirect.scatter.add.f32 [tilespmem:s26], [sflag:$0x3], $0x80, s31, s24, $0xb8;
	[tilespmem:$0x1C200] =	vst v63  }
0x83: {  	_ =	swait.ge [sflag:s23], $0x4000  }
0x84: {  	[sflag:s23] =	ssyncset.done $0x0  }
0x85: {  	[sflag:s23] =	ssyncadd.s32 $0xFFFFC000  }
0x86: {  	s12 =	simm.s32 @p1 $0x3;
	[bflag:$0x0] =	sbarrier.arrive $0xFFFF  }
0x87: {  	[hbm:s16], [sflag:s20] =	dma.local @p1 [spmem:s10], $0x1900  }
0x88: {  	_ =	swait.ge @p1 [sflag:s12], $0x1900  }
0x89: {  	[sflag:s12] =	ssyncset.done @p1 $0x0  }
0x8a: {  	[sflag:s12] =	ssyncadd.s32 @p1 $0xFFFFE700;
	s12 =	rddreg [dreg:$0xf]  }
0x8b: {  	[hbm:s12], [sflag:s20] =	dma.local @!p1 [spmem:s5], $0x2800  }
0x8c: {  	s12 =	simm.s32 @!p1 $0x3  }
0x8d: {  	_ =	swait.ge @!p1 [sflag:s12], $0x2800  }
0x8e: {  	[sflag:s12] =	ssyncset.done @!p1 $0x0  }
0x8f: {  	[sflag:s12] =	ssyncadd.s32 @!p1 $0xFFFFD800  }
0x90: {  	[bflag:$0x0] =	sbarrier.arrive $0xFFFF  }
0x91: {  	[spmem:s22], [sflag:s20] =	dma.local [hbm:s8], $0x2800  }
0x92: {  	_ =	swait.ge [sflag:s23], $0x2800  }
0x93: {  	[sflag:s23] =	ssyncset.done $0x0  }
0x94: {  	[sflag:s23] =	ssyncadd.s32 $0xFFFFD800  }
0x95: {  	s15 =	sadd.s32 $0x0, s21;
	[bflag:$0x0] =	sbarrier.arrive $0xFFFF  }
0x96: {  	[tilespmem:s7], [sflag:$0x3] =	stream.linear.gather [hbm4b:s15+s7], $0x200, $0x38;
	[tilespmem:$0x1C200] =	vst v63  }
0x97: {  	_ =	swait.ge [sflag:s23], $0x200  }
0x98: {  	[sflag:s23] =	ssyncset.done $0x0  }
0x99: {  	[sflag:s23] =	ssyncadd.s32 $0xFFFFFE00  }
0x9a: {  	[tilespmem:s25], [sflag:$0x1] =	stream.indirect.gather [hbm4b:s3+s24], $0x80, s7, s24, $0xb8;
	[tilespmem:$0x1C200] =	vst v63  }
0x9b: {  	_ = 	snop  }
0x9c: {  	[tilespmem:s26], [sflag:$0x2] =	stream.indirect.gather [hbm4b:s3+s24], $0x80, s24, s24, $0xb8;
	[tilespmem:$0x1C200] =	vst v63  }
0x9d: {  	_ =	swait.ge [sflag:s28], $0x4000  }
0x9e: {  	[sflag:s28] =	ssyncset.done $0x0  }
0x9f: {  	[sflag:s28] =	ssyncadd.s32 $0xFFFFC000  }
0xa0: {  	[spmem:s6] =	stream.indirect.scatter.add.f32 [tilespmem:s25], [sflag:$0x3], $0x80, s29, s24, $0xb8;
	[tilespmem:$0x1C200] =	vst v63  }
0xa1: {  	_ =	swait.ge [sflag:s23], $0x4000  }
0xa2: {  	[sflag:s23] =	ssyncset.done $0x0  }
0xa3: {  	[sflag:s23] =	ssyncadd.s32 $0xFFFFC000  }
0xa4: {  	_ =	swait.ge [sflag:s30], $0x4000  }
0xa5: {  	[sflag:s30] =	ssyncset.done $0x0  }
0xa6: {  	[sflag:s30] =	ssyncadd.s32 $0xFFFFC000  }
0xa7: {  	[spmem:s6] =	stream.indirect.scatter.add.f32 [tilespmem:s26], [sflag:$0x3], $0x80, s31, s24, $0xb8;
	[tilespmem:$0x1C200] =	vst v63  }
0xa8: {  	_ =	swait.ge [sflag:s23], $0x4000  }
0xa9: {  	s13 =	simm.s32 $0x80;
	s12 =	simm.s32 $0x40;
	[sflag:s23] =	ssyncset.done $0x0  }
.LBB2_10:
0xaa: {  	s14 =	sadd.s32 s12, s21  }
0xab: {  	[sflag:s23] =	ssyncadd.s32 $0xFFFFC000;
	s12 =	smov.u32 s13;
	s15 =	sadd.s32 $0x40, s13  }
0xac: {  	[tilespmem:s7], [sflag:$0x3] =	stream.linear.gather [hbm4b:s14+s7], $0x200, $0x38;
	[tilespmem:$0x1C200] =	vst v63  }
0xad: {  	p2 =	sne.s32 s13, $0x1380;
	_ =	swait.ge [sflag:s23], $0x200  }
0xae: {  	[sflag:s23] =	ssyncset.done $0x0  }
0xaf: {  	[sflag:s23] =	ssyncadd.s32 $0xFFFFFE00  }
0xb0: {  	[tilespmem:s25], [sflag:$0x1] =	stream.indirect.gather [hbm4b:s3+s24], $0x80, s7, s24, $0xb8;
	[tilespmem:$0x1C200] =	vst v63  }
0xb1: {  	_ = 	snop  }
0xb2: {  	[tilespmem:s26], [sflag:$0x2] =	stream.indirect.gather [hbm4b:s3+s24], $0x80, s24, s24, $0xb8;
	[tilespmem:$0x1C200] =	vst v63  }
0xb3: {  	_ =	swait.ge [sflag:s28], $0x4000  }
0xb4: {  	[sflag:s28] =	ssyncset.done $0x0  }
0xb5: {  	[sflag:s28] =	ssyncadd.s32 $0xFFFFC000  }
0xb6: {  	[spmem:s6] =	stream.indirect.scatter.add.f32 [tilespmem:s25], [sflag:$0x3], $0x80, s29, s24, $0xb8;
	[tilespmem:$0x1C200] =	vst v63  }
0xb7: {  	_ =	swait.ge [sflag:s23], $0x4000  }
0xb8: {  	[sflag:s23] =	ssyncset.done $0x0  }
0xb9: {  	[sflag:s23] =	ssyncadd.s32 $0xFFFFC000  }
0xba: {  	_ =	swait.ge [sflag:s30], $0x4000  }
.Ltmp4:
0xbb: {  	[sflag:s30] =	ssyncset.done $0x0;
	(pc) =	sbr.rel @p2 .LBB2_10-.Ltmp4, $4  }
0xbc: {  	[sflag:s30] =	ssyncadd.s32 $0xFFFFC000  }
0xbd: {  	[spmem:s6] =	stream.indirect.scatter.add.f32 [tilespmem:s26], [sflag:$0x3], $0x80, s31, s24, $0xb8;
	[tilespmem:$0x1C200] =	vst v63  }
0xbe: {  	_ =	swait.ge [sflag:s23], $0x4000  }
0xbf: {  	s13 =	smov.u32 s15;
	[sflag:s23] =	ssyncset.done $0x0  }
.Ltmp5:
0xc0: {  	_ = 	snop;
	(pc) =	sbr.rel .LBB2_11-.Ltmp5, $1  }
0xc1: {  	_ =	sdelay $0x3  }
.LBB2_2:
0xc2: {  	[tilespmem:s7], [sflag:$0x3] =	stream.linear.gather [hbm4b:s12+s7], $0x200, $0x38;
	[tilespmem:$0x1C200] =	vst v63  }
0xc3: {  	_ =	swait.ge [sflag:s23], $0x200  }
0xc4: {  	[sflag:s23] =	ssyncset.done $0x0  }
0xc5: {  	[sflag:s23] =	ssyncadd.s32 $0xFFFFFE00  }
0xc6: {  	[tilespmem:s25], [sflag:$0x1] =	stream.indirect.gather [hbm4b:s0+s24], $0x80, s7, s24, $0xb8;
	[tilespmem:$0x1C200] =	vst v63  }
0xc7: {  	_ = 	snop  }
0xc8: {  	[tilespmem:s26], [sflag:$0x2] =	stream.indirect.gather [hbm4b:s0+s24], $0x80, s24, s24, $0xb8;
	[tilespmem:$0x1C200] =	vst v63  }
0xc9: {  	_ =	swait.ge [sflag:s28], $0x4000  }
0xca: {  	[sflag:s28] =	ssyncset.done $0x0  }
0xcb: {  	[sflag:s28] =	ssyncadd.s32 $0xFFFFC000  }
0xcc: {  	[spmem:s6] =	stream.indirect.scatter.add.f32 [tilespmem:s25], [sflag:$0x3], $0x80, s29, s24, $0xb8;
	[tilespmem:$0x1C200] =	vst v63  }
0xcd: {  	_ =	swait.ge [sflag:s23], $0x4000  }
0xce: {  	[sflag:s23] =	ssyncset.done $0x0  }
0xcf: {  	[sflag:s23] =	ssyncadd.s32 $0xFFFFC000  }
0xd0: {  	_ =	swait.ge [sflag:s30], $0x4000  }
0xd1: {  	[sflag:s30] =	ssyncset.done $0x0  }
0xd2: {  	[sflag:s30] =	ssyncadd.s32 $0xFFFFC000  }
0xd3: {  	[spmem:s6] =	stream.indirect.scatter.add.f32 [tilespmem:s26], [sflag:$0x3], $0x80, s31, s24, $0xb8;
	[tilespmem:$0x1C200] =	vst v63  }
0xd4: {  	_ =	swait.ge [sflag:s23], $0x4000  }
0xd5: {  	s12 =	simm.s32 $0x40;
	s13 =	simm.s32 $0x80;
	[sflag:s23] =	ssyncset.done $0x0  }
.LBB2_3:
0xd6: {  	s14 =	sadd.s32 s12, s21  }
0xd7: {  	[sflag:s23] =	ssyncadd.s32 $0xFFFFC000;
	s12 =	smov.u32 s13;
	s15 =	sadd.s32 $0x40, s13  }
0xd8: {  	[tilespmem:s7], [sflag:$0x3] =	stream.linear.gather [hbm4b:s14+s7], $0x200, $0x38;
	[tilespmem:$0x1C200] =	vst v63  }
0xd9: {  	p2 =	sne.s32 s13, $0x1380;
	_ =	swait.ge [sflag:s23], $0x200  }
0xda: {  	[sflag:s23] =	ssyncset.done $0x0  }
0xdb: {  	[sflag:s23] =	ssyncadd.s32 $0xFFFFFE00  }
0xdc: {  	[tilespmem:s25], [sflag:$0x1] =	stream.indirect.gather [hbm4b:s0+s24], $0x80, s7, s24, $0xb8;
	[tilespmem:$0x1C200] =	vst v63  }
0xdd: {  	_ = 	snop  }
0xde: {  	[tilespmem:s26], [sflag:$0x2] =	stream.indirect.gather [hbm4b:s0+s24], $0x80, s24, s24, $0xb8;
	[tilespmem:$0x1C200] =	vst v63  }
0xdf: {  	_ =	swait.ge [sflag:s28], $0x4000  }
0xe0: {  	[sflag:s28] =	ssyncset.done $0x0  }
0xe1: {  	[sflag:s28] =	ssyncadd.s32 $0xFFFFC000  }
0xe2: {  	[spmem:s6] =	stream.indirect.scatter.add.f32 [tilespmem:s25], [sflag:$0x3], $0x80, s29, s24, $0xb8;
	[tilespmem:$0x1C200] =	vst v63  }
0xe3: {  	_ =	swait.ge [sflag:s23], $0x4000  }
0xe4: {  	[sflag:s23] =	ssyncset.done $0x0  }
0xe5: {  	[sflag:s23] =	ssyncadd.s32 $0xFFFFC000  }
0xe6: {  	_ =	swait.ge [sflag:s30], $0x4000  }
.Ltmp6:
0xe7: {  	[sflag:s30] =	ssyncset.done $0x0;
	(pc) =	sbr.rel @p2 .LBB2_3-.Ltmp6, $4  }
0xe8: {  	[sflag:s30] =	ssyncadd.s32 $0xFFFFC000  }
0xe9: {  	[spmem:s6] =	stream.indirect.scatter.add.f32 [tilespmem:s26], [sflag:$0x3], $0x80, s31, s24, $0xb8;
	[tilespmem:$0x1C200] =	vst v63  }
0xea: {  	_ =	swait.ge [sflag:s23], $0x4000  }
0xeb: {  	s13 =	smov.u32 s15;
	[sflag:s23] =	ssyncset.done $0x0  }
0xec: {  	s12 =	sadd.s32 s12, s21;
	[sflag:s23] =	ssyncadd.s32 $0xFFFFC000  }
0xed: {  	[tilespmem:s7], [sflag:$0x3] =	stream.linear.gather [hbm4b:s12+s7], $0x200, $0x38;
	[tilespmem:$0x1C200] =	vst v63  }
0xee: {  	_ =	swait.ge [sflag:s23], $0x200  }
0xef: {  	[sflag:s23] =	ssyncset.done $0x0  }
0xf0: {  	[sflag:s23] =	ssyncadd.s32 $0xFFFFFE00  }
0xf1: {  	[tilespmem:s25], [sflag:$0x1] =	stream.indirect.gather [hbm4b:s0+s24], $0x80, s7, s24, $0xb8;
	[tilespmem:$0x1C200] =	vst v63  }
0xf2: {  	_ = 	snop  }
0xf3: {  	[tilespmem:s26], [sflag:$0x2] =	stream.indirect.gather [hbm4b:s0+s24], $0x80, s24, s24, $0xb8;
	[tilespmem:$0x1C200] =	vst v63  }
0xf4: {  	_ =	swait.ge [sflag:s28], $0x4000  }
0xf5: {  	[sflag:s28] =	ssyncset.done $0x0  }
0xf6: {  	[sflag:s28] =	ssyncadd.s32 $0xFFFFC000  }
0xf7: {  	[spmem:s6] =	stream.indirect.scatter.add.f32 [tilespmem:s25], [sflag:$0x3], $0x80, s29, s24, $0xb8;
	[tilespmem:$0x1C200] =	vst v63  }
0xf8: {  	_ =	swait.ge [sflag:s23], $0x4000  }
0xf9: {  	[sflag:s23] =	ssyncset.done $0x0  }
0xfa: {  	[sflag:s23] =	ssyncadd.s32 $0xFFFFC000  }
0xfb: {  	_ =	swait.ge [sflag:s30], $0x4000  }
0xfc: {  	[sflag:s30] =	ssyncset.done $0x0  }
0xfd: {  	[sflag:s30] =	ssyncadd.s32 $0xFFFFC000  }
0xfe: {  	[spmem:s6] =	stream.indirect.scatter.add.f32 [tilespmem:s26], [sflag:$0x3], $0x80, s31, s24, $0xb8;
	[tilespmem:$0x1C200] =	vst v63  }
0xff: {  	_ =	swait.ge [sflag:s23], $0x4000  }
0x100: {  	[sflag:s23] =	ssyncset.done $0x0  }
0x101: {  	[sflag:s23] =	ssyncadd.s32 $0xFFFFC000  }
0x102: {  	[bflag:$0x0] =	sbarrier.arrive $0xFFFF  }
0x103: {  	s12 =	rddreg [dreg:$0xc]  }
0x104: {  	[hbm:s12], [sflag:s20] =	dma.local @p1 [spmem:s10], $0x1900  }
0x105: {  	s12 =	simm.s32 @p1 $0x3  }
0x106: {  	_ =	swait.ge @p1 [sflag:s12], $0x1900  }
0x107: {  	[sflag:s12] =	ssyncset.done @p1 $0x0  }
0x108: {  	[sflag:s12] =	ssyncadd.s32 @p1 $0xFFFFE700;
	s12 =	rddreg [dreg:$0xb]  }
0x109: {  	[hbm:s12], [sflag:s20] =	dma.local @!p1 [spmem:s5], $0x2800  }
0x10a: {  	s12 =	simm.s32 @!p1 $0x3  }
0x10b: {  	_ =	swait.ge @!p1 [sflag:s12], $0x2800  }
0x10c: {  	[sflag:s12] =	ssyncset.done @!p1 $0x0  }
0x10d: {  	[sflag:s12] =	ssyncadd.s32 @!p1 $0xFFFFD800  }
0x10e: {  	[bflag:$0x0] =	sbarrier.arrive $0xFFFF  }
0x10f: {  	[spmem:s22], [sflag:s20] =	dma.local [hbm:s8], $0x2800  }
0x110: {  	_ =	swait.ge [sflag:s23], $0x2800  }
0x111: {  	[sflag:s23] =	ssyncset.done $0x0  }
0x112: {  	[sflag:s23] =	ssyncadd.s32 $0xFFFFD800  }
0x113: {  	s15 =	sadd.s32 $0x0, s21;
	[bflag:$0x0] =	sbarrier.arrive $0xFFFF  }
0x114: {  	[tilespmem:s7], [sflag:$0x3] =	stream.linear.gather [hbm4b:s15+s7], $0x200, $0x38;
	[tilespmem:$0x1C200] =	vst v63  }
0x115: {  	_ =	swait.ge [sflag:s23], $0x200  }
0x116: {  	[sflag:s23] =	ssyncset.done $0x0  }
0x117: {  	[sflag:s23] =	ssyncadd.s32 $0xFFFFFE00  }
0x118: {  	[tilespmem:s25], [sflag:$0x1] =	stream.indirect.gather [hbm4b:s1+s24], $0x80, s7, s24, $0xb8;
	[tilespmem:$0x1C200] =	vst v63  }
0x119: {  	_ = 	snop  }
0x11a: {  	[tilespmem:s26], [sflag:$0x2] =	stream.indirect.gather [hbm4b:s1+s24], $0x80, s24, s24, $0xb8;
	[tilespmem:$0x1C200] =	vst v63  }
0x11b: {  	_ =	swait.ge [sflag:s28], $0x4000  }
0x11c: {  	[sflag:s28] =	ssyncset.done $0x0  }
0x11d: {  	[sflag:s28] =	ssyncadd.s32 $0xFFFFC000  }
0x11e: {  	[spmem:s6] =	stream.indirect.scatter.add.f32 [tilespmem:s25], [sflag:$0x3], $0x80, s29, s24, $0xb8;
	[tilespmem:$0x1C200] =	vst v63  }
0x11f: {  	_ =	swait.ge [sflag:s23], $0x4000  }
0x120: {  	[sflag:s23] =	ssyncset.done $0x0  }
0x121: {  	[sflag:s23] =	ssyncadd.s32 $0xFFFFC000  }
0x122: {  	_ =	swait.ge [sflag:s30], $0x4000  }
0x123: {  	[sflag:s30] =	ssyncset.done $0x0  }
0x124: {  	[sflag:s30] =	ssyncadd.s32 $0xFFFFC000  }
0x125: {  	[spmem:s6] =	stream.indirect.scatter.add.f32 [tilespmem:s26], [sflag:$0x3], $0x80, s31, s24, $0xb8;
	[tilespmem:$0x1C200] =	vst v63  }
0x126: {  	_ =	swait.ge [sflag:s23], $0x4000  }
0x127: {  	s13 =	simm.s32 $0x80;
	s12 =	simm.s32 $0x40;
	[sflag:s23] =	ssyncset.done $0x0  }
.LBB2_5:
0x128: {  	s14 =	sadd.s32 s12, s21  }
0x129: {  	[sflag:s23] =	ssyncadd.s32 $0xFFFFC000;
	s12 =	smov.u32 s13;
	s15 =	sadd.s32 $0x40, s13  }
0x12a: {  	[tilespmem:s7], [sflag:$0x3] =	stream.linear.gather [hbm4b:s14+s7], $0x200, $0x38;
	[tilespmem:$0x1C200] =	vst v63  }
0x12b: {  	p2 =	sne.s32 s13, $0x1380;
	_ =	swait.ge [sflag:s23], $0x200  }
0x12c: {  	[sflag:s23] =	ssyncset.done $0x0  }
0x12d: {  	[sflag:s23] =	ssyncadd.s32 $0xFFFFFE00  }
0x12e: {  	[tilespmem:s25], [sflag:$0x1] =	stream.indirect.gather [hbm4b:s1+s24], $0x80, s7, s24, $0xb8;
	[tilespmem:$0x1C200] =	vst v63  }
0x12f: {  	_ = 	snop  }
0x130: {  	[tilespmem:s26], [sflag:$0x2] =	stream.indirect.gather [hbm4b:s1+s24], $0x80, s24, s24, $0xb8;
	[tilespmem:$0x1C200] =	vst v63  }
0x131: {  	_ =	swait.ge [sflag:s28], $0x4000  }
0x132: {  	[sflag:s28] =	ssyncset.done $0x0  }
0x133: {  	[sflag:s28] =	ssyncadd.s32 $0xFFFFC000  }
0x134: {  	[spmem:s6] =	stream.indirect.scatter.add.f32 [tilespmem:s25], [sflag:$0x3], $0x80, s29, s24, $0xb8;
	[tilespmem:$0x1C200] =	vst v63  }
0x135: {  	_ =	swait.ge [sflag:s23], $0x4000  }
0x136: {  	[sflag:s23] =	ssyncset.done $0x0  }
0x137: {  	[sflag:s23] =	ssyncadd.s32 $0xFFFFC000  }
0x138: {  	_ =	swait.ge [sflag:s30], $0x4000  }
.Ltmp7:
0x139: {  	[sflag:s30] =	ssyncset.done $0x0;
	(pc) =	sbr.rel @p2 .LBB2_5-.Ltmp7, $4  }
0x13a: {  	[sflag:s30] =	ssyncadd.s32 $0xFFFFC000  }
0x13b: {  	[spmem:s6] =	stream.indirect.scatter.add.f32 [tilespmem:s26], [sflag:$0x3], $0x80, s31, s24, $0xb8;
	[tilespmem:$0x1C200] =	vst v63  }
0x13c: {  	_ =	swait.ge [sflag:s23], $0x4000  }
0x13d: {  	s13 =	smov.u32 s15;
	[sflag:s23] =	ssyncset.done $0x0  }
0x13e: {  	s12 =	sadd.s32 s12, s21;
	[sflag:s23] =	ssyncadd.s32 $0xFFFFC000  }
0x13f: {  	[tilespmem:s7], [sflag:$0x3] =	stream.linear.gather [hbm4b:s12+s7], $0x200, $0x38;
	[tilespmem:$0x1C200] =	vst v63  }
0x140: {  	_ =	swait.ge [sflag:s23], $0x200  }
0x141: {  	[sflag:s23] =	ssyncset.done $0x0  }
0x142: {  	[sflag:s23] =	ssyncadd.s32 $0xFFFFFE00  }
0x143: {  	[tilespmem:s25], [sflag:$0x1] =	stream.indirect.gather [hbm4b:s1+s24], $0x80, s7, s24, $0xb8;
	[tilespmem:$0x1C200] =	vst v63  }
0x144: {  	_ = 	snop  }
0x145: {  	[tilespmem:s26], [sflag:$0x2] =	stream.indirect.gather [hbm4b:s1+s24], $0x80, s24, s24, $0xb8;
	[tilespmem:$0x1C200] =	vst v63  }
0x146: {  	_ =	swait.ge [sflag:s28], $0x4000  }
0x147: {  	[sflag:s28] =	ssyncset.done $0x0  }
0x148: {  	[sflag:s28] =	ssyncadd.s32 $0xFFFFC000  }
0x149: {  	[spmem:s6] =	stream.indirect.scatter.add.f32 [tilespmem:s25], [sflag:$0x3], $0x80, s29, s24, $0xb8;
	[tilespmem:$0x1C200] =	vst v63  }
0x14a: {  	_ =	swait.ge [sflag:s23], $0x4000  }
0x14b: {  	[sflag:s23] =	ssyncset.done $0x0  }
0x14c: {  	[sflag:s23] =	ssyncadd.s32 $0xFFFFC000  }
0x14d: {  	_ =	swait.ge [sflag:s30], $0x4000  }
0x14e: {  	[sflag:s30] =	ssyncset.done $0x0  }
0x14f: {  	[sflag:s30] =	ssyncadd.s32 $0xFFFFC000  }
0x150: {  	[spmem:s6] =	stream.indirect.scatter.add.f32 [tilespmem:s26], [sflag:$0x3], $0x80, s31, s24, $0xb8;
	[tilespmem:$0x1C200] =	vst v63  }
0x151: {  	_ =	swait.ge [sflag:s23], $0x4000  }
0x152: {  	[sflag:s23] =	ssyncset.done $0x0  }
0x153: {  	[sflag:s23] =	ssyncadd.s32 $0xFFFFC000  }
0x154: {  	[bflag:$0x0] =	sbarrier.arrive $0xFFFF  }
0x155: {  	s12 =	rddreg [dreg:$0xe]  }
0x156: {  	[hbm:s12], [sflag:s20] =	dma.local @p1 [spmem:s10], $0x1900  }
0x157: {  	s10 =	simm.s32 @p1 $0x3  }
0x158: {  	_ =	swait.ge @p1 [sflag:s10], $0x1900  }
0x159: {  	[sflag:s10] =	ssyncset.done @p1 $0x0  }
0x15a: {  	[sflag:s10] =	ssyncadd.s32 @p1 $0xFFFFE700;
	s10 =	rddreg [dreg:$0xd]  }
0x15b: {  	[hbm:s10], [sflag:s20] =	dma.local @!p1 [spmem:s5], $0x2800  }
.Ltmp8:
0x15c: {  	_ = 	snop;
	(pc) =	sbr.rel .LBB2_12-.Ltmp8, $4  }
0x15d: {  	s5 =	simm.s32 @!p1 $0x3  }
0x15e: {  	_ =	swait.ge @!p1 [sflag:s5], $0x2800  }
0x15f: {  	[sflag:s5] =	ssyncset.done @!p1 $0x0  }
0x160: {  	[sflag:s5] =	ssyncadd.s32 @!p1 $0xFFFFD800  }
.LBB2_13:
0x161: {  	_ =	sfence.sel $0x180000  }
0x162: {  	[bflag:$0x0] =	sbarrier.arrive $0xFFFF  }
0x163: {  	_ =	strace $0x90000047  }
0x164: {  	s0 =	stileid.u32;
	[bflag:$0x2] =	sbarrier.arrive $0xFFFF  }
0x165: {  	p0 =	sne.s32 s0, $0x0;
	s0 =	rddreg [dreg:$0xa]  }
0x166: {  	s0 =	sadd.s32 @!p0 $0x100000, s0  }
0x167: {  	[sflag:s0] =	ssyncadd.tile.s32 @!p0 $0x1;
	_ =	shalt  }
.Lfunc_end2:
_tile_overlayer_lowered:
.L_overlay_start_2:
0x168: {  	(tag) =	ssettag $0x2  }
0x169: {  	s0 =	rddreg [dreg:$0x0];
	s2 =	stileid.u32  }
0x16a: {  	s1 =	rddreg [dreg:$0x1];
	p0 =	sne.s32 s2, $0x0  }
0x16b: {  	s3 =	rddreg [dreg:$0x2];
	[bflag:$0x3] =	sbarrier.arrive $0xFFFF;
	s2 =	simm.s32 @!p0 $0x1C03  }
0x16c: {  	[timem:s3], [sflag:s2] =	dma.local @!p0 [hbm:s0], s1  }
0x16d: {  	s0 =	simm.s32 @!p0 $0x3  }
0x16e: {  	_ =	swait.ge @!p0 [sflag:s0], s1  }
0x16f: {  	s1 =	ssub.s32 @!p0 $0x0, s1;
	[sflag:s0] =	ssyncset.done @!p0 $0x0  }
0x170: {  	[sflag:s0] =	ssyncadd.s32 @!p0 s1  }
0x171: {  	[bflag:$0x3] =	sbarrier.arrive $0xFFFF  }
0x172: {  	_ =	shalt  }

</sc_bundles>
